<compile_context>
chip_gen: v7x
topology: tpu7x:2x2x1
jax: 0.10.2.dev20260603
libtpu: 0.0.44.dev20260713+nightly
codegen_flags: <defaults>
</compile_context>

<pallas_src>
import functools

import numpy as np
import jax
from jax import lax
import jax.numpy as jnp
from jax.experimental import pallas as pl
from jax.experimental.pallas import tpu as pltpu
from jax.experimental.pallas import tpu_sc as plsc


def _line_constants(num_rows: int):
    rng = np.random.default_rng(0)
    rand_row = int(rng.integers(0, num_rows))
    x_min, alpha = 1.0728769e-07, 1.0868737
    r = float(rng.random())
    relative_error = x_min * (1.0 - r) ** (-1.0 / (alpha - 1.0))
    return rand_row, relative_error


_BLOCK_ROWS = 2048


def _sc_scaled_row(forward_input, rand_row, rel_err, n_cols):
    mesh = plsc.VectorSubcoreMesh(core_axis_name="c", subcore_axis_name="s")

    @functools.partial(
        pl.kernel,
        out_type=jax.ShapeDtypeStruct((1, n_cols), forward_input.dtype),
        mesh=mesh,
        scratch_types=[
            pltpu.VMEM((1, n_cols), forward_input.dtype),
            pltpu.SemaphoreType.DMA,
            pltpu.SemaphoreType.DMA,
        ],
    )
    def sc_kernel(x_hbm, row_hbm, buf, rsem, wsem):
        wid = lax.axis_index("s") * 2 + lax.axis_index("c")

        @pl.when(wid == 0)
        def _():
            rd = pltpu.make_async_copy(
                x_hbm.at[pl.ds(rand_row, 1)], buf, rsem
            )
            rd.start()
            rd.wait()
            for k in range(n_cols // 16):
                sl = pl.ds(k * 16, 16)
                buf[0, sl] = buf[0, sl] * jnp.float32(rel_err)
            wr = pltpu.make_async_copy(buf, row_hbm, wsem)
            wr.start()
            wr.wait()

    return sc_kernel(forward_input)


def kernel(forward_input):
    n_rows, n_cols = forward_input.shape
    rand_row, rel_err = _line_constants(n_rows)

    scaled_row = _sc_scaled_row(forward_input, rand_row, rel_err, n_cols)

    block_rows = _BLOCK_ROWS
    grid = n_rows // block_rows
    target_block = rand_row // block_rows
    row_off = rand_row % block_rows

    def body(x_ref, row_ref, o_ref):
        i = pl.program_id(0)
        o_ref[...] = x_ref[...]

        @pl.when(i == target_block)
        def _():
            o_ref[row_off, :] = row_ref[0, :]

    return pl.pallas_call(
        body,
        grid=(grid,),
        in_specs=[
            pl.BlockSpec((block_rows, n_cols), lambda i: (i, 0)),
            pl.BlockSpec((1, n_cols), lambda i: (0, 0)),
        ],
        out_specs=pl.BlockSpec((block_rows, n_cols), lambda i: (i, 0)),
        out_shape=jax.ShapeDtypeStruct((n_rows, n_cols), forward_input.dtype),
    )(forward_input, scaled_row)

# --- scband reference (transcript-rebuilt; emitter-appended) ---
"""Pipeline reference for scband-hans-gruber-ni-44598940402234 (READ-ONLY COPY).

The authoritative reference and input builder live on the scoring server;
editing this copy changes nothing except your own understanding.
"""

import jax, jax.numpy as jnp
import numpy as np


def setup_inputs(seed: int = 0) -> dict:
    key = jax.random.key(seed)
    forward_input = jax.random.normal(key, (16384, 1024), dtype=jnp.float32)
    return {"forward_input": forward_input}


def reference(forward_input):
    # Faithful translation of HansGruberNI.forward with error_model=LINE.
    # The torch module draws a random row index and a power-law relative error;
    # here we use a fixed-seed numpy RNG so the reference is deterministic.
    rng = np.random.default_rng(0)
    rand_row = int(rng.integers(0, forward_input.shape[0]))
    x_min, alpha = 1.0728769e-07, 1.0868737
    r = float(rng.random())
    relative_error = x_min * (1.0 - r) ** (-1.0 / (alpha - 1.0))
    # output = forward_input.clone(); output[rand_row, :] *= relative_error
    output = forward_input.at[rand_row, :].multiply(relative_error)
    return output

if __name__ == "__main__":
    import jax
    _d = setup_inputs()
    print(jax.jit(kernel)(*tuple(_d.values())))

</pallas_src>

<mosaic_0001>
#map = affine_map<(d0, d1) -> (0, 0)>
module attributes {stable_mosaic.version = 14 : i64} {
  func.func @sc_kernel(%arg0: i32, %arg1: i32, %arg2: memref<16384x1024xf32, #tpu.memory_space<hbm>>, %arg3: memref<1x1024xf32, #tpu.memory_space<hbm>>, %arg4: memref<1x1024xf32, #tpu.memory_space<vmem>>, %arg5: memref<!tpu.dma_semaphore, #tpu.memory_space<semaphore_mem>>, %arg6: memref<!tpu.dma_semaphore, #tpu.memory_space<semaphore_mem>>) attributes {dimension_semantics = [#tpu.dimension_semantics<core_parallel>, #tpu.dimension_semantics<subcore_parallel>], iteration_bounds = array<i64: 2, 16>, scalar_prefetch = 0 : i64, scratch_operands = 3 : i64, tpu.core_type = #tpu.core_type<sc_vector_subcore>, window_params = [{transform_indices = #map}, {transform_indices = #map}]} {
    %mul3A = arith.constant 2 : i32
    %mul3A_0 = arith.muli %arg1, %mul3A : i32
    %add3A = arith.addi %mul3A_0, %arg0 : i32
    %eq3A = arith.constant 0 : i32
    %eq3A_1 = arith.cmpi eq, %add3A, %eq3A : i32
    %convert_element_type3A = arith.extui %eq3A_1 : i1 to i32
    %cond3A = arith.constant 0 : i32
    %cond3A_2 = arith.cmpi ne, %convert_element_type3A, %cond3A : i32
    scf.if %cond3A_2 {
      %dma_start3A = arith.constant 13936 : i32
      %dma_start3A_3 = arith.constant 0 : i32
      %dma_start3A_4 = tpu.memref_slice %arg2[%dma_start3A, %dma_start3A_3] : memref<16384x1024xf32, #tpu.memory_space<hbm>> -> memref<1x1024xf32, #tpu.memory_space<hbm>>
      %dma_start3A_5 = arith.constant 13936 : i32
      %dma_start3A_6 = arith.constant 0 : i32
      %dma_start3A_7 = tpu.memref_slice %arg2[%dma_start3A_5, %dma_start3A_6] : memref<16384x1024xf32, #tpu.memory_space<hbm>> -> memref<1x1024xf32, #tpu.memory_space<hbm>>
      tpu.enqueue_dma source(%dma_start3A_7 : memref<1x1024xf32, #tpu.memory_space<hbm>>) target(%arg4 : memref<1x1024xf32, #tpu.memory_space<vmem>>) target_semaphore(%arg5 : memref<!tpu.dma_semaphore, #tpu.memory_space<semaphore_mem>>)
      %dma_wait3A = arith.constant 13936 : i32
      %dma_wait3A_8 = arith.constant 0 : i32
      %dma_wait3A_9 = tpu.memref_slice %arg2[%dma_wait3A, %dma_wait3A_8] : memref<16384x1024xf32, #tpu.memory_space<hbm>> -> memref<1x1024xf32, #tpu.memory_space<hbm>>
      %dma_wait3A_10 = arith.constant 13936 : i32
      %dma_wait3A_11 = arith.constant 0 : i32
      %dma_wait3A_12 = tpu.memref_slice %arg2[%dma_wait3A_10, %dma_wait3A_11] : memref<16384x1024xf32, #tpu.memory_space<hbm>> -> memref<1x1024xf32, #tpu.memory_space<hbm>>
      tpu.wait_dma2 semaphore(%arg5 : memref<!tpu.dma_semaphore, #tpu.memory_space<semaphore_mem>>) src(%dma_wait3A_12 : memref<1x1024xf32, #tpu.memory_space<hbm>>) dst(%arg4 : memref<1x1024xf32, #tpu.memory_space<vmem>>)
      %get3A = arith.constant 0 : i32
      %get3A_13 = arith.index_cast %get3A : i32 to index
      %get3A_14 = arith.constant 0 : index
      %get3A_15 = tpu.vector_load %arg4[%get3A_13, %get3A_14] {strides = array<i32>} : memref<1x1024xf32, #tpu.memory_space<vmem>>, vector<1x16xf32>,
      %get3A_16 = vector.shape_cast %get3A_15 : vector<1x16xf32> to vector<16xf32>
      %mul3A_17 = arith.constant 4.0029031E-6 : f32
      %mul3A_18 = vector.broadcast %mul3A_17 : f32 to vector<16xf32>
      %mul3A_19 = arith.mulf %get3A_16, %mul3A_18 : vector<16xf32>
      %swap3A = arith.constant 0 : i32
      %swap3A_20 = arith.index_cast %swap3A : i32 to index
      %swap3A_21 = arith.constant 0 : index
      %swap3A_22 = tpu.vector_load %arg4[%swap3A_20, %swap3A_21] {strides = array<i32>} : memref<1x1024xf32, #tpu.memory_space<vmem>>, vector<1x16xf32>,
      %swap3A_23 = vector.shape_cast %swap3A_22 : vector<1x16xf32> to vector<16xf32>
      %swap3A_24 = vector.shape_cast %mul3A_19 : vector<16xf32> to vector<1x16xf32>
      tpu.vector_store %arg4[%swap3A_20, %swap3A_21], %swap3A_24 {strides = array<i32>} : memref<1x1024xf32, #tpu.memory_space<vmem>>, vector<1x16xf32>,
      %get3A_25 = arith.constant 0 : i32
      %get3A_26 = arith.index_cast %get3A_25 : i32 to index
      %get3A_27 = arith.constant 16 : index
      %get3A_28 = tpu.vector_load %arg4[%get3A_26, %get3A_27] {strides = array<i32>} : memref<1x1024xf32, #tpu.memory_space<vmem>>, vector<1x16xf32>,
      %get3A_29 = vector.shape_cast %get3A_28 : vector<1x16xf32> to vector<16xf32>
      %mul3A_30 = arith.constant 4.0029031E-6 : f32
      %mul3A_31 = vector.broadcast %mul3A_30 : f32 to vector<16xf32>
      %mul3A_32 = arith.mulf %get3A_29, %mul3A_31 : vector<16xf32>
      %swap3A_33 = arith.constant 0 : i32
      %swap3A_34 = arith.index_cast %swap3A_33 : i32 to index
      %swap3A_35 = arith.constant 16 : index
      %swap3A_36 = tpu.vector_load %arg4[%swap3A_34, %swap3A_35] {strides = array<i32>} : memref<1x1024xf32, #tpu.memory_space<vmem>>, vector<1x16xf32>,
      %swap3A_37 = vector.shape_cast %swap3A_36 : vector<1x16xf32> to vector<16xf32>
      %swap3A_38 = vector.shape_cast %mul3A_32 : vector<16xf32> to vector<1x16xf32>
      tpu.vector_store %arg4[%swap3A_34, %swap3A_35], %swap3A_38 {strides = array<i32>} : memref<1x1024xf32, #tpu.memory_space<vmem>>, vector<1x16xf32>,
      %get3A_39 = arith.constant 0 : i32
      %get3A_40 = arith.index_cast %get3A_39 : i32 to index
      %get3A_41 = arith.constant 32 : index
      %get3A_42 = tpu.vector_load %arg4[%get3A_40, %get3A_41] {strides = array<i32>} : memref<1x1024xf32, #tpu.memory_space<vmem>>, vector<1x16xf32>,
      %get3A_43 = vector.shape_cast %get3A_42 : vector<1x16xf32> to vector<16xf32>
      %mul3A_44 = arith.constant 4.0029031E-6 : f32
      %mul3A_45 = vector.broadcast %mul3A_44 : f32 to vector<16xf32>
      %mul3A_46 = arith.mulf %get3A_43, %mul3A_45 : vector<16xf32>
      %swap3A_47 = arith.constant 0 : i32
      %swap3A_48 = arith.index_cast %swap3A_47 : i32 to index
      %swap3A_49 = arith.constant 32 : index
      %swap3A_50 = tpu.vector_load %arg4[%swap3A_48, %swap3A_49] {strides = array<i32>} : memref<1x1024xf32, #tpu.memory_space<vmem>>, vector<1x16xf32>,
      %swap3A_51 = vector.shape_cast %swap3A_50 : vector<1x16xf32> to vector<16xf32>
      %swap3A_52 = vector.shape_cast %mul3A_46 : vector<16xf32> to vector<1x16xf32>
      tpu.vector_store %arg4[%swap3A_48, %swap3A_49], %swap3A_52 {strides = array<i32>} : memref<1x1024xf32, #tpu.memory_space<vmem>>, vector<1x16xf32>,
      %get3A_53 = arith.constant 0 : i32
      %get3A_54 = arith.index_cast %get3A_53 : i32 to index
      %get3A_55 = arith.constant 48 : index
      %get3A_56 = tpu.vector_load %arg4[%get3A_54, %get3A_55] {strides = array<i32>} : memref<1x1024xf32, #tpu.memory_space<vmem>>, vector<1x16xf32>,
      %get3A_57 = vector.shape_cast %get3A_56 : vector<1x16xf32> to vector<16xf32>
      %mul3A_58 = arith.constant 4.0029031E-6 : f32
      %mul3A_59 = vector.broadcast %mul3A_58 : f32 to vector<16xf32>
      %mul3A_60 = arith.mulf %get3A_57, %mul3A_59 : vector<16xf32>
      %swap3A_61 = arith.constant 0 : i32
      %swap3A_62 = arith.index_cast %swap3A_61 : i32 to index
      %swap3A_63 = arith.constant 48 : index
      %swap3A_64 = tpu.vector_load %arg4[%swap3A_62, %swap3A_63] {strides = array<i32>} : memref<1x1024xf32, #tpu.memory_space<vmem>>, vector<1x16xf32>,
      %swap3A_65 = vector.shape_cast %swap3A_64 : vector<1x16xf32> to vector<16xf32>
      %swap3A_66 = vector.shape_cast %mul3A_60 : vector<16xf32> to vector<1x16xf32>
      tpu.vector_store %arg4[%swap3A_62, %swap3A_63], %swap3A_66 {strides = array<i32>} : memref<1x1024xf32, #tpu.memory_space<vmem>>, vector<1x16xf32>,
      %get3A_67 = arith.constant 0 : i32
      %get3A_68 = arith.index_cast %get3A_67 : i32 to index
      %get3A_69 = arith.constant 64 : index
      %get3A_70 = tpu.vector_load %arg4[%get3A_68, %get3A_69] {strides = array<i32>} : memref<1x1024xf32, #tpu.memory_space<vmem>>, vector<1x16xf32>,
      %get3A_71 = vector.shape_cast %get3A_70 : vector<1x16xf32> to vector<16xf32>
      %mul3A_72 = arith.constant 4.0029031E-6 : f32
      %mul3A_73 = vector.broadcast %mul3A_72 : f32 to vector<16xf32>
      %mul3A_74 = arith.mulf %get3A_71, %mul3A_73 : vector<16xf32>
      %swap3A_75 = arith.constant 0 : i32
      %swap3A_76 = arith.index_cast %swap3A_75 : i32 to index
      %swap3A_77 = arith.constant 64 : index
      %swap3A_78 = tpu.vector_load %arg4[%swap3A_76, %swap3A_77] {strides = array<i32>} : memref<1x1024xf32, #tpu.memory_space<vmem>>, vector<1x16xf32>,
      %swap3A_79 = vector.shape_cast %swap3A_78 : vector<1x16xf32> to vector<16xf32>
      %swap3A_80 = vector.shape_cast %mul3A_74 : vector<16xf32> to vector<1x16xf32>
      tpu.vector_store %arg4[%swap3A_76, %swap3A_77], %swap3A_80 {strides = array<i32>} : memref<1x1024xf32, #tpu.memory_space<vmem>>, vector<1x16xf32>,
      %get3A_81 = arith.constant 0 : i32
      %get3A_82 = arith.index_cast %get3A_81 : i32 to index
      %get3A_83 = arith.constant 80 : index
      %get3A_84 = tpu.vector_load %arg4[%get3A_82, %get3A_83] {strides = array<i32>} : memref<1x1024xf32, #tpu.memory_space<vmem>>, vector<1x16xf32>,
      %get3A_85 = vector.shape_cast %get3A_84 : vector<1x16xf32> to vector<16xf32>
      %mul3A_86 = arith.constant 4.0029031E-6 : f32
      %mul3A_87 = vector.broadcast %mul3A_86 : f32 to vector<16xf32>
      %mul3A_88 = arith.mulf %get3A_85, %mul3A_87 : vector<16xf32>
      %swap3A_89 = arith.constant 0 : i32
      %swap3A_90 = arith.index_cast %swap3A_89 : i32 to index
      %swap3A_91 = arith.constant 80 : index
      %swap3A_92 = tpu.vector_load %arg4[%swap3A_90, %swap3A_91] {strides = array<i32>} : memref<1x1024xf32, #tpu.memory_space<vmem>>, vector<1x16xf32>,
      %swap3A_93 = vector.shape_cast %swap3A_92 : vector<1x16xf32> to vector<16xf32>
      %swap3A_94 = vector.shape_cast %mul3A_88 : vector<16xf32> to vector<1x16xf32>
      tpu.vector_store %arg4[%swap3A_90, %swap3A_91], %swap3A_94 {strides = array<i32>} : memref<1x1024xf32, #tpu.memory_space<vmem>>, vector<1x16xf32>,
      %get3A_95 = arith.constant 0 : i32
      %get3A_96 = arith.index_cast %get3A_95 : i32 to index
      %get3A_97 = arith.constant 96 : index
      %get3A_98 = tpu.vector_load %arg4[%get3A_96, %get3A_97] {strides = array<i32>} : memref<1x1024xf32, #tpu.memory_space<vmem>>, vector<1x16xf32>,
      %get3A_99 = vector.shape_cast %get3A_98 : vector<1x16xf32> to vector<16xf32>
      %mul3A_100 = arith.constant 4.0029031E-6 : f32
      %mul3A_101 = vector.broadcast %mul3A_100 : f32 to vector<16xf32>
      %mul3A_102 = arith.mulf %get3A_99, %mul3A_101 : vector<16xf32>
      %swap3A_103 = arith.constant 0 : i32
      %swap3A_104 = arith.index_cast %swap3A_103 : i32 to index
      %swap3A_105 = arith.constant 96 : index
      %swap3A_106 = tpu.vector_load %arg4[%swap3A_104, %swap3A_105] {strides = array<i32>} : memref<1x1024xf32, #tpu.memory_space<vmem>>, vector<1x16xf32>,
      %swap3A_107 = vector.shape_cast %swap3A_106 : vector<1x16xf32> to vector<16xf32>
      %swap3A_108 = vector.shape_cast %mul3A_102 : vector<16xf32> to vector<1x16xf32>
      tpu.vector_store %arg4[%swap3A_104, %swap3A_105], %swap3A_108 {strides = array<i32>} : memref<1x1024xf32, #tpu.memory_space<vmem>>, vector<1x16xf32>,
      %get3A_109 = arith.constant 0 : i32
      %get3A_110 = arith.index_cast %get3A_109 : i32 to index
      %get3A_111 = arith.constant 112 : index
      %get3A_112 = tpu.vector_load %arg4[%get3A_110, %get3A_111] {strides = array<i32>} : memref<1x1024xf32, #tpu.memory_space<vmem>>, vector<1x16xf32>,
      %get3A_113 = vector.shape_cast %get3A_112 : vector<1x16xf32> to vector<16xf32>
      %mul3A_114 = arith.constant 4.0029031E-6 : f32
      %mul3A_115 = vector.broadcast %mul3A_114 : f32 to vector<16xf32>
      %mul3A_116 = arith.mulf %get3A_113, %mul3A_115 : vector<16xf32>
      %swap3A_117 = arith.constant 0 : i32
      %swap3A_118 = arith.index_cast %swap3A_117 : i32 to index
      %swap3A_119 = arith.constant 112 : index
      %swap3A_120 = tpu.vector_load %arg4[%swap3A_118, %swap3A_119] {strides = array<i32>} : memref<1x1024xf32, #tpu.memory_space<vmem>>, vector<1x16xf32>,
      %swap3A_121 = vector.shape_cast %swap3A_120 : vector<1x16xf32> to vector<16xf32>
      %swap3A_122 = vector.shape_cast %mul3A_116 : vector<16xf32> to vector<1x16xf32>
      tpu.vector_store %arg4[%swap3A_118, %swap3A_119], %swap3A_122 {strides = array<i32>} : memref<1x1024xf32, #tpu.memory_space<vmem>>, vector<1x16xf32>,
      %get3A_123 = arith.constant 0 : i32
      %get3A_124 = arith.index_cast %get3A_123 : i32 to index
      %get3A_125 = arith.constant 128 : index
      %get3A_126 = tpu.vector_load %arg4[%get3A_124, %get3A_125] {strides = array<i32>} : memref<1x1024xf32, #tpu.memory_space<vmem>>, vector<1x16xf32>,
      %get3A_127 = vector.shape_cast %get3A_126 : vector<1x16xf32> to vector<16xf32>
      %mul3A_128 = arith.constant 4.0029031E-6 : f32
      %mul3A_129 = vector.broadcast %mul3A_128 : f32 to vector<16xf32>
      %mul3A_130 = arith.mulf %get3A_127, %mul3A_129 : vector<16xf32>
      %swap3A_131 = arith.constant 0 : i32
      %swap3A_132 = arith.index_cast %swap3A_131 : i32 to index
      %swap3A_133 = arith.constant 128 : index
      %swap3A_134 = tpu.vector_load %arg4[%swap3A_132, %swap3A_133] {strides = array<i32>} : memref<1x1024xf32, #tpu.memory_space<vmem>>, vector<1x16xf32>,
      %swap3A_135 = vector.shape_cast %swap3A_134 : vector<1x16xf32> to vector<16xf32>
      %swap3A_136 = vector.shape_cast %mul3A_130 : vector<16xf32> to vector<1x16xf32>
      tpu.vector_store %arg4[%swap3A_132, %swap3A_133], %swap3A_136 {strides = array<i32>} : memref<1x1024xf32, #tpu.memory_space<vmem>>, vector<1x16xf32>,
      %get3A_137 = arith.constant 0 : i32
      %get3A_138 = arith.index_cast %get3A_137 : i32 to index
      %get3A_139 = arith.constant 144 : index
      %get3A_140 = tpu.vector_load %arg4[%get3A_138, %get3A_139] {strides = array<i32>} : memref<1x1024xf32, #tpu.memory_space<vmem>>, vector<1x16xf32>,
      %get3A_141 = vector.shape_cast %get3A_140 : vector<1x16xf32> to vector<16xf32>
      %mul3A_142 = arith.constant 4.0029031E-6 : f32
      %mul3A_143 = vector.broadcast %mul3A_142 : f32 to vector<16xf32>
      %mul3A_144 = arith.mulf %get3A_141, %mul3A_143 : vector<16xf32>
      %swap3A_145 = arith.constant 0 : i32
      %swap3A_146 = arith.index_cast %swap3A_145 : i32 to index
      %swap3A_147 = arith.constant 144 : index
      %swap3A_148 = tpu.vector_load %arg4[%swap3A_146, %swap3A_147] {strides = array<i32>} : memref<1x1024xf32, #tpu.memory_space<vmem>>, vector<1x16xf32>,
      %swap3A_149 = vector.shape_cast %swap3A_148 : vector<1x16xf32> to vector<16xf32>
      %swap3A_150 = vector.shape_cast %mul3A_144 : vector<16xf32> to vector<1x16xf32>
      tpu.vector_store %arg4[%swap3A_146, %swap3A_147], %swap3A_150 {strides = array<i32>} : memref<1x1024xf32, #tpu.memory_space<vmem>>, vector<1x16xf32>,
      %get3A_151 = arith.constant 0 : i32
      %get3A_152 = arith.index_cast %get3A_151 : i32 to index
      %get3A_153 = arith.constant 160 : index
      %get3A_154 = tpu.vector_load %arg4[%get3A_152, %get3A_153] {strides = array<i32>} : memref<1x1024xf32, #tpu.memory_space<vmem>>, vector<1x16xf32>,
      %get3A_155 = vector.shape_cast %get3A_154 : vector<1x16xf32> to vector<16xf32>
      %mul3A_156 = arith.constant 4.0029031E-6 : f32
      %mul3A_157 = vector.broadcast %mul3A_156 : f32 to vector<16xf32>
      %mul3A_158 = arith.mulf %get3A_155, %mul3A_157 : vector<16xf32>
      %swap3A_159 = arith.constant 0 : i32
      %swap3A_160 = arith.index_cast %swap3A_159 : i32 to index
      %swap3A_161 = arith.constant 160 : index
      %swap3A_162 = tpu.vector_load %arg4[%swap3A_160, %swap3A_161] {strides = array<i32>} : memref<1x1024xf32, #tpu.memory_space<vmem>>, vector<1x16xf32>,
      %swap3A_163 = vector.shape_cast %swap3A_162 : vector<1x16xf32> to vector<16xf32>
      %swap3A_164 = vector.shape_cast %mul3A_158 : vector<16xf32> to vector<1x16xf32>
      tpu.vector_store %arg4[%swap3A_160, %swap3A_161], %swap3A_164 {strides = array<i32>} : memref<1x1024xf32, #tpu.memory_space<vmem>>, vector<1x16xf32>,
      %get3A_165 = arith.constant 0 : i32
      %get3A_166 = arith.index_cast %get3A_165 : i32 to index
      %get3A_167 = arith.constant 176 : index
      %get3A_168 = tpu.vector_load %arg4[%get3A_166, %get3A_167] {strides = array<i32>} : memref<1x1024xf32, #tpu.memory_space<vmem>>, vector<1x16xf32>,
      %get3A_169 = vector.shape_cast %get3A_168 : vector<1x16xf32> to vector<16xf32>
      %mul3A_170 = arith.constant 4.0029031E-6 : f32
      %mul3A_171 = vector.broadcast %mul3A_170 : f32 to vector<16xf32>
      %mul3A_172 = arith.mulf %get3A_169, %mul3A_171 : vector<16xf32>
      %swap3A_173 = arith.constant 0 : i32
      %swap3A_174 = arith.index_cast %swap3A_173 : i32 to index
      %swap3A_175 = arith.constant 176 : index
      %swap3A_176 = tpu.vector_load %arg4[%swap3A_174, %swap3A_175] {strides = array<i32>} : memref<1x1024xf32, #tpu.memory_space<vmem>>, vector<1x16xf32>,
      %swap3A_177 = vector.shape_cast %swap3A_176 : vector<1x16xf32> to vector<16xf32>
      %swap3A_178 = vector.shape_cast %mul3A_172 : vector<16xf32> to vector<1x16xf32>
      tpu.vector_store %arg4[%swap3A_174, %swap3A_175], %swap3A_178 {strides = array<i32>} : memref<1x1024xf32, #tpu.memory_space<vmem>>, vector<1x16xf32>,
      %get3A_179 = arith.constant 0 : i32
      %get3A_180 = arith.index_cast %get3A_179 : i32 to index
      %get3A_181 = arith.constant 192 : index
      %get3A_182 = tpu.vector_load %arg4[%get3A_180, %get3A_181] {strides = array<i32>} : memref<1x1024xf32, #tpu.memory_space<vmem>>, vector<1x16xf32>,
      %get3A_183 = vector.shape_cast %get3A_182 : vector<1x16xf32> to vector<16xf32>
      %mul3A_184 = arith.constant 4.0029031E-6 : f32
      %mul3A_185 = vector.broadcast %mul3A_184 : f32 to vector<16xf32>
      %mul3A_186 = arith.mulf %get3A_183, %mul3A_185 : vector<16xf32>
      %swap3A_187 = arith.constant 0 : i32
      %swap3A_188 = arith.index_cast %swap3A_187 : i32 to index
      %swap3A_189 = arith.constant 192 : index
      %swap3A_190 = tpu.vector_load %arg4[%swap3A_188, %swap3A_189] {strides = array<i32>} : memref<1x1024xf32, #tpu.memory_space<vmem>>, vector<1x16xf32>,
      %swap3A_191 = vector.shape_cast %swap3A_190 : vector<1x16xf32> to vector<16xf32>
      %swap3A_192 = vector.shape_cast %mul3A_186 : vector<16xf32> to vector<1x16xf32>
      tpu.vector_store %arg4[%swap3A_188, %swap3A_189], %swap3A_192 {strides = array<i32>} : memref<1x1024xf32, #tpu.memory_space<vmem>>, vector<1x16xf32>,
      %get3A_193 = arith.constant 0 : i32
      %get3A_194 = arith.index_cast %get3A_193 : i32 to index
      %get3A_195 = arith.constant 208 : index
      %get3A_196 = tpu.vector_load %arg4[%get3A_194, %get3A_195] {strides = array<i32>} : memref<1x1024xf32, #tpu.memory_space<vmem>>, vector<1x16xf32>,
      %get3A_197 = vector.shape_cast %get3A_196 : vector<1x16xf32> to vector<16xf32>
      %mul3A_198 = arith.constant 4.0029031E-6 : f32
      %mul3A_199 = vector.broadcast %mul3A_198 : f32 to vector<16xf32>
      %mul3A_200 = arith.mulf %get3A_197, %mul3A_199 : vector<16xf32>
      %swap3A_201 = arith.constant 0 : i32
      %swap3A_202 = arith.index_cast %swap3A_201 : i32 to index
      %swap3A_203 = arith.constant 208 : index
      %swap3A_204 = tpu.vector_load %arg4[%swap3A_202, %swap3A_203] {strides = array<i32>} : memref<1x1024xf32, #tpu.memory_space<vmem>>, vector<1x16xf32>,
      %swap3A_205 = vector.shape_cast %swap3A_204 : vector<1x16xf32> to vector<16xf32>
      %swap3A_206 = vector.shape_cast %mul3A_200 : vector<16xf32> to vector<1x16xf32>
      tpu.vector_store %arg4[%swap3A_202, %swap3A_203], %swap3A_206 {strides = array<i32>} : memref<1x1024xf32, #tpu.memory_space<vmem>>, vector<1x16xf32>,
      %get3A_207 = arith.constant 0 : i32
      %get3A_208 = arith.index_cast %get3A_207 : i32 to index
      %get3A_209 = arith.constant 224 : index
      %get3A_210 = tpu.vector_load %arg4[%get3A_208, %get3A_209] {strides = array<i32>} : memref<1x1024xf32, #tpu.memory_space<vmem>>, vector<1x16xf32>,
      %get3A_211 = vector.shape_cast %get3A_210 : vector<1x16xf32> to vector<16xf32>
      %mul3A_212 = arith.constant 4.0029031E-6 : f32
      %mul3A_213 = vector.broadcast %mul3A_212 : f32 to vector<16xf32>
      %mul3A_214 = arith.mulf %get3A_211, %mul3A_213 : vector<16xf32>
      %swap3A_215 = arith.constant 0 : i32
      %swap3A_216 = arith.index_cast %swap3A_215 : i32 to index
      %swap3A_217 = arith.constant 224 : index
      %swap3A_218 = tpu.vector_load %arg4[%swap3A_216, %swap3A_217] {strides = array<i32>} : memref<1x1024xf32, #tpu.memory_space<vmem>>, vector<1x16xf32>,
      %swap3A_219 = vector.shape_cast %swap3A_218 : vector<1x16xf32> to vector<16xf32>
      %swap3A_220 = vector.shape_cast %mul3A_214 : vector<16xf32> to vector<1x16xf32>
      tpu.vector_store %arg4[%swap3A_216, %swap3A_217], %swap3A_220 {strides = array<i32>} : memref<1x1024xf32, #tpu.memory_space<vmem>>, vector<1x16xf32>,
      %get3A_221 = arith.constant 0 : i32
      %get3A_222 = arith.index_cast %get3A_221 : i32 to index
      %get3A_223 = arith.constant 240 : index
      %get3A_224 = tpu.vector_load %arg4[%get3A_222, %get3A_223] {strides = array<i32>} : memref<1x1024xf32, #tpu.memory_space<vmem>>, vector<1x16xf32>,
      %get3A_225 = vector.shape_cast %get3A_224 : vector<1x16xf32> to vector<16xf32>
      %mul3A_226 = arith.constant 4.0029031E-6 : f32
      %mul3A_227 = vector.broadcast %mul3A_226 : f32 to vector<16xf32>
      %mul3A_228 = arith.mulf %get3A_225, %mul3A_227 : vector<16xf32>
      %swap3A_229 = arith.constant 0 : i32
      %swap3A_230 = arith.index_cast %swap3A_229 : i32 to index
      %swap3A_231 = arith.constant 240 : index
      %swap3A_232 = tpu.vector_load %arg4[%swap3A_230, %swap3A_231] {strides = array<i32>} : memref<1x1024xf32, #tpu.memory_space<vmem>>, vector<1x16xf32>,
      %swap3A_233 = vector.shape_cast %swap3A_232 : vector<1x16xf32> to vector<16xf32>
      %swap3A_234 = vector.shape_cast %mul3A_228 : vector<16xf32> to vector<1x16xf32>
      tpu.vector_store %arg4[%swap3A_230, %swap3A_231], %swap3A_234 {strides = array<i32>} : memref<1x1024xf32, #tpu.memory_space<vmem>>, vector<1x16xf32>,
      %get3A_235 = arith.constant 0 : i32
      %get3A_236 = arith.index_cast %get3A_235 : i32 to index
      %get3A_237 = arith.constant 256 : index
      %get3A_238 = tpu.vector_load %arg4[%get3A_236, %get3A_237] {strides = array<i32>} : memref<1x1024xf32, #tpu.memory_space<vmem>>, vector<1x16xf32>,
      %get3A_239 = vector.shape_cast %get3A_238 : vector<1x16xf32> to vector<16xf32>
      %mul3A_240 = arith.constant 4.0029031E-6 : f32
      %mul3A_241 = vector.broadcast %mul3A_240 : f32 to vector<16xf32>
      %mul3A_242 = arith.mulf %get3A_239, %mul3A_241 : vector<16xf32>
      %swap3A_243 = arith.constant 0 : i32
      %swap3A_244 = arith.index_cast %swap3A_243 : i32 to index
      %swap3A_245 = arith.constant 256 : index
      %swap3A_246 = tpu.vector_load %arg4[%swap3A_244, %swap3A_245] {strides = array<i32>} : memref<1x1024xf32, #tpu.memory_space<vmem>>, vector<1x16xf32>,
      %swap3A_247 = vector.shape_cast %swap3A_246 : vector<1x16xf32> to vector<16xf32>
      %swap3A_248 = vector.shape_cast %mul3A_242 : vector<16xf32> to vector<1x16xf32>
      tpu.vector_store %arg4[%swap3A_244, %swap3A_245], %swap3A_248 {strides = array<i32>} : memref<1x1024xf32, #tpu.memory_space<vmem>>, vector<1x16xf32>,
      %get3A_249 = arith.constant 0 : i32
      %get3A_250 = arith.index_cast %get3A_249 : i32 to index
      %get3A_251 = arith.constant 272 : index
      %get3A_252 = tpu.vector_load %arg4[%get3A_250, %get3A_251] {strides = array<i32>} : memref<1x1024xf32, #tpu.memory_space<vmem>>, vector<1x16xf32>,
      %get3A_253 = vector.shape_cast %get3A_252 : vector<1x16xf32> to vector<16xf32>
      %mul3A_254 = arith.constant 4.0029031E-6 : f32
      %mul3A_255 = vector.broadcast %mul3A_254 : f32 to vector<16xf32>
      %mul3A_256 = arith.mulf %get3A_253, %mul3A_255 : vector<16xf32>
      %swap3A_257 = arith.constant 0 : i32
      %swap3A_258 = arith.index_cast %swap3A_257 : i32 to index
      %swap3A_259 = arith.constant 272 : index
      %swap3A_260 = tpu.vector_load %arg4[%swap3A_258, %swap3A_259] {strides = array<i32>} : memref<1x1024xf32, #tpu.memory_space<vmem>>, vector<1x16xf32>,
      %swap3A_261 = vector.shape_cast %swap3A_260 : vector<1x16xf32> to vector<16xf32>
      %swap3A_262 = vector.shape_cast %mul3A_256 : vector<16xf32> to vector<1x16xf32>
      tpu.vector_store %arg4[%swap3A_258, %swap3A_259], %swap3A_262 {strides = array<i32>} : memref<1x1024xf32, #tpu.memory_space<vmem>>, vector<1x16xf32>,
      %get3A_263 = arith.constant 0 : i32
      %get3A_264 = arith.index_cast %get3A_263 : i32 to index
      %get3A_265 = arith.constant 288 : index
      %get3A_266 = tpu.vector_load %arg4[%get3A_264, %get3A_265] {strides = array<i32>} : memref<1x1024xf32, #tpu.memory_space<vmem>>, vector<1x16xf32>,
      %get3A_267 = vector.shape_cast %get3A_266 : vector<1x16xf32> to vector<16xf32>
      %mul3A_268 = arith.constant 4.0029031E-6 : f32
      %mul3A_269 = vector.broadcast %mul3A_268 : f32 to vector<16xf32>
      %mul3A_270 = arith.mulf %get3A_267, %mul3A_269 : vector<16xf32>
      %swap3A_271 = arith.constant 0 : i32
      %swap3A_272 = arith.index_cast %swap3A_271 : i32 to index
      %swap3A_273 = arith.constant 288 : index
      %swap3A_274 = tpu.vector_load %arg4[%swap3A_272, %swap3A_273] {strides = array<i32>} : memref<1x1024xf32, #tpu.memory_space<vmem>>, vector<1x16xf32>,
      %swap3A_275 = vector.shape_cast %swap3A_274 : vector<1x16xf32> to vector<16xf32>
      %swap3A_276 = vector.shape_cast %mul3A_270 : vector<16xf32> to vector<1x16xf32>
      tpu.vector_store %arg4[%swap3A_272, %swap3A_273], %swap3A_276 {strides = array<i32>} : memref<1x1024xf32, #tpu.memory_space<vmem>>, vector<1x16xf32>,
      %get3A_277 = arith.constant 0 : i32
      %get3A_278 = arith.index_cast %get3A_277 : i32 to index
      %get3A_279 = arith.constant 304 : index
      %get3A_280 = tpu.vector_load %arg4[%get3A_278, %get3A_279] {strides = array<i32>} : memref<1x1024xf32, #tpu.memory_space<vmem>>, vector<1x16xf32>,
      %get3A_281 = vector.shape_cast %get3A_280 : vector<1x16xf32> to vector<16xf32>
      %mul3A_282 = arith.constant 4.0029031E-6 : f32
      %mul3A_283 = vector.broadcast %mul3A_282 : f32 to vector<16xf32>
      %mul3A_284 = arith.mulf %get3A_281, %mul3A_283 : vector<16xf32>
      %swap3A_285 = arith.constant 0 : i32
      %swap3A_286 = arith.index_cast %swap3A_285 : i32 to index
      %swap3A_287 = arith.constant 304 : index
      %swap3A_288 = tpu.vector_load %arg4[%swap3A_286, %swap3A_287] {strides = array<i32>} : memref<1x1024xf32, #tpu.memory_space<vmem>>, vector<1x16xf32>,
      %swap3A_289 = vector.shape_cast %swap3A_288 : vector<1x16xf32> to vector<16xf32>
      %swap3A_290 = vector.shape_cast %mul3A_284 : vector<16xf32> to vector<1x16xf32>
      tpu.vector_store %arg4[%swap3A_286, %swap3A_287], %swap3A_290 {strides = array<i32>} : memref<1x1024xf32, #tpu.memory_space<vmem>>, vector<1x16xf32>,
      %get3A_291 = arith.constant 0 : i32
      %get3A_292 = arith.index_cast %get3A_291 : i32 to index
      %get3A_293 = arith.constant 320 : index
      %get3A_294 = tpu.vector_load %arg4[%get3A_292, %get3A_293] {strides = array<i32>} : memref<1x1024xf32, #tpu.memory_space<vmem>>, vector<1x16xf32>,
      %get3A_295 = vector.shape_cast %get3A_294 : vector<1x16xf32> to vector<16xf32>
      %mul3A_296 = arith.constant 4.0029031E-6 : f32
      %mul3A_297 = vector.broadcast %mul3A_296 : f32 to vector<16xf32>
      %mul3A_298 = arith.mulf %get3A_295, %mul3A_297 : vector<16xf32>
      %swap3A_299 = arith.constant 0 : i32
      %swap3A_300 = arith.index_cast %swap3A_299 : i32 to index
      %swap3A_301 = arith.constant 320 : index
      %swap3A_302 = tpu.vector_load %arg4[%swap3A_300, %swap3A_301] {strides = array<i32>} : memref<1x1024xf32, #tpu.memory_space<vmem>>, vector<1x16xf32>,
      %swap3A_303 = vector.shape_cast %swap3A_302 : vector<1x16xf32> to vector<16xf32>
      %swap3A_304 = vector.shape_cast %mul3A_298 : vector<16xf32> to vector<1x16xf32>
      tpu.vector_store %arg4[%swap3A_300, %swap3A_301], %swap3A_304 {strides = array<i32>} : memref<1x1024xf32, #tpu.memory_space<vmem>>, vector<1x16xf32>,
      %get3A_305 = arith.constant 0 : i32
      %get3A_306 = arith.index_cast %get3A_305 : i32 to index
      %get3A_307 = arith.constant 336 : index
      %get3A_308 = tpu.vector_load %arg4[%get3A_306, %get3A_307] {strides = array<i32>} : memref<1x1024xf32, #tpu.memory_space<vmem>>, vector<1x16xf32>,
      %get3A_309 = vector.shape_cast %get3A_308 : vector<1x16xf32> to vector<16xf32>
      %mul3A_310 = arith.constant 4.0029031E-6 : f32
      %mul3A_311 = vector.broadcast %mul3A_310 : f32 to vector<16xf32>
      %mul3A_312 = arith.mulf %get3A_309, %mul3A_311 : vector<16xf32>
      %swap3A_313 = arith.constant 0 : i32
      %swap3A_314 = arith.index_cast %swap3A_313 : i32 to index
      %swap3A_315 = arith.constant 336 : index
      %swap3A_316 = tpu.vector_load %arg4[%swap3A_314, %swap3A_315] {strides = array<i32>} : memref<1x1024xf32, #tpu.memory_space<vmem>>, vector<1x16xf32>,
      %swap3A_317 = vector.shape_cast %swap3A_316 : vector<1x16xf32> to vector<16xf32>
      %swap3A_318 = vector.shape_cast %mul3A_312 : vector<16xf32> to vector<1x16xf32>
      tpu.vector_store %arg4[%swap3A_314, %swap3A_315], %swap3A_318 {strides = array<i32>} : memref<1x1024xf32, #tpu.memory_space<vmem>>, vector<1x16xf32>,
      %get3A_319 = arith.constant 0 : i32
      %get3A_320 = arith.index_cast %get3A_319 : i32 to index
      %get3A_321 = arith.constant 352 : index
      %get3A_322 = tpu.vector_load %arg4[%get3A_320, %get3A_321] {strides = array<i32>} : memref<1x1024xf32, #tpu.memory_space<vmem>>, vector<1x16xf32>,
      %get3A_323 = vector.shape_cast %get3A_322 : vector<1x16xf32> to vector<16xf32>
      %mul3A_324 = arith.constant 4.0029031E-6 : f32
      %mul3A_325 = vector.broadcast %mul3A_324 : f32 to vector<16xf32>
      %mul3A_326 = arith.mulf %get3A_323, %mul3A_325 : vector<16xf32>
      %swap3A_327 = arith.constant 0 : i32
      %swap3A_328 = arith.index_cast %swap3A_327 : i32 to index
      %swap3A_329 = arith.constant 352 : index
      %swap3A_330 = tpu.vector_load %arg4[%swap3A_328, %swap3A_329] {strides = array<i32>} : memref<1x1024xf32, #tpu.memory_space<vmem>>, vector<1x16xf32>,
      %swap3A_331 = vector.shape_cast %swap3A_330 : vector<1x16xf32> to vector<16xf32>
      %swap3A_332 = vector.shape_cast %mul3A_326 : vector<16xf32> to vector<1x16xf32>
      tpu.vector_store %arg4[%swap3A_328, %swap3A_329], %swap3A_332 {strides = array<i32>} : memref<1x1024xf32, #tpu.memory_space<vmem>>, vector<1x16xf32>,
      %get3A_333 = arith.constant 0 : i32
      %get3A_334 = arith.index_cast %get3A_333 : i32 to index
      %get3A_335 = arith.constant 368 : index
      %get3A_336 = tpu.vector_load %arg4[%get3A_334, %get3A_335] {strides = array<i32>} : memref<1x1024xf32, #tpu.memory_space<vmem>>, vector<1x16xf32>,
      %get3A_337 = vector.shape_cast %get3A_336 : vector<1x16xf32> to vector<16xf32>
      %mul3A_338 = arith.constant 4.0029031E-6 : f32
      %mul3A_339 = vector.broadcast %mul3A_338 : f32 to vector<16xf32>
      %mul3A_340 = arith.mulf %get3A_337, %mul3A_339 : vector<16xf32>
      %swap3A_341 = arith.constant 0 : i32
      %swap3A_342 = arith.index_cast %swap3A_341 : i32 to index
      %swap3A_343 = arith.constant 368 : index
      %swap3A_344 = tpu.vector_load %arg4[%swap3A_342, %swap3A_343] {strides = array<i32>} : memref<1x1024xf32, #tpu.memory_space<vmem>>, vector<1x16xf32>,
      %swap3A_345 = vector.shape_cast %swap3A_344 : vector<1x16xf32> to vector<16xf32>
      %swap3A_346 = vector.shape_cast %mul3A_340 : vector<16xf32> to vector<1x16xf32>
      tpu.vector_store %arg4[%swap3A_342, %swap3A_343], %swap3A_346 {strides = array<i32>} : memref<1x1024xf32, #tpu.memory_space<vmem>>, vector<1x16xf32>,
      %get3A_347 = arith.constant 0 : i32
      %get3A_348 = arith.index_cast %get3A_347 : i32 to index
      %get3A_349 = arith.constant 384 : index
      %get3A_350 = tpu.vector_load %arg4[%get3A_348, %get3A_349] {strides = array<i32>} : memref<1x1024xf32, #tpu.memory_space<vmem>>, vector<1x16xf32>,
      %get3A_351 = vector.shape_cast %get3A_350 : vector<1x16xf32> to vector<16xf32>
      %mul3A_352 = arith.constant 4.0029031E-6 : f32
      %mul3A_353 = vector.broadcast %mul3A_352 : f32 to vector<16xf32>
      %mul3A_354 = arith.mulf %get3A_351, %mul3A_353 : vector<16xf32>
      %swap3A_355 = arith.constant 0 : i32
      %swap3A_356 = arith.index_cast %swap3A_355 : i32 to index
      %swap3A_357 = arith.constant 384 : index
      %swap3A_358 = tpu.vector_load %arg4[%swap3A_356, %swap3A_357] {strides = array<i32>} : memref<1x1024xf32, #tpu.memory_space<vmem>>, vector<1x16xf32>,
      %swap3A_359 = vector.shape_cast %swap3A_358 : vector<1x16xf32> to vector<16xf32>
      %swap3A_360 = vector.shape_cast %mul3A_354 : vector<16xf32> to vector<1x16xf32>
      tpu.vector_store %arg4[%swap3A_356, %swap3A_357], %swap3A_360 {strides = array<i32>} : memref<1x1024xf32, #tpu.memory_space<vmem>>, vector<1x16xf32>,
      %get3A_361 = arith.constant 0 : i32
      %get3A_362 = arith.index_cast %get3A_361 : i32 to index
      %get3A_363 = arith.constant 400 : index
      %get3A_364 = tpu.vector_load %arg4[%get3A_362, %get3A_363] {strides = array<i32>} : memref<1x1024xf32, #tpu.memory_space<vmem>>, vector<1x16xf32>,
      %get3A_365 = vector.shape_cast %get3A_364 : vector<1x16xf32> to vector<16xf32>
      %mul3A_366 = arith.constant 4.0029031E-6 : f32
      %mul3A_367 = vector.broadcast %mul3A_366 : f32 to vector<16xf32>
      %mul3A_368 = arith.mulf %get3A_365, %mul3A_367 : vector<16xf32>
      %swap3A_369 = arith.constant 0 : i32
      %swap3A_370 = arith.index_cast %swap3A_369 : i32 to index
      %swap3A_371 = arith.constant 400 : index
      %swap3A_372 = tpu.vector_load %arg4[%swap3A_370, %swap3A_371] {strides = array<i32>} : memref<1x1024xf32, #tpu.memory_space<vmem>>, vector<1x16xf32>,
      %swap3A_373 = vector.shape_cast %swap3A_372 : vector<1x16xf32> to vector<16xf32>
      %swap3A_374 = vector.shape_cast %mul3A_368 : vector<16xf32> to vector<1x16xf32>
      tpu.vector_store %arg4[%swap3A_370, %swap3A_371], %swap3A_374 {strides = array<i32>} : memref<1x1024xf32, #tpu.memory_space<vmem>>, vector<1x16xf32>,
      %get3A_375 = arith.constant 0 : i32
      %get3A_376 = arith.index_cast %get3A_375 : i32 to index
      %get3A_377 = arith.constant 416 : index
      %get3A_378 = tpu.vector_load %arg4[%get3A_376, %get3A_377] {strides = array<i32>} : memref<1x1024xf32, #tpu.memory_space<vmem>>, vector<1x16xf32>,
      %get3A_379 = vector.shape_cast %get3A_378 : vector<1x16xf32> to vector<16xf32>
      %mul3A_380 = arith.constant 4.0029031E-6 : f32
      %mul3A_381 = vector.broadcast %mul3A_380 : f32 to vector<16xf32>
      %mul3A_382 = arith.mulf %get3A_379, %mul3A_381 : vector<16xf32>
      %swap3A_383 = arith.constant 0 : i32
      %swap3A_384 = arith.index_cast %swap3A_383 : i32 to index
      %swap3A_385 = arith.constant 416 : index
      %swap3A_386 = tpu.vector_load %arg4[%swap3A_384, %swap3A_385] {strides = array<i32>} : memref<1x1024xf32, #tpu.memory_space<vmem>>, vector<1x16xf32>,
      %swap3A_387 = vector.shape_cast %swap3A_386 : vector<1x16xf32> to vector<16xf32>
      %swap3A_388 = vector.shape_cast %mul3A_382 : vector<16xf32> to vector<1x16xf32>
      tpu.vector_store %arg4[%swap3A_384, %swap3A_385], %swap3A_388 {strides = array<i32>} : memref<1x1024xf32, #tpu.memory_space<vmem>>, vector<1x16xf32>,
      %get3A_389 = arith.constant 0 : i32
      %get3A_390 = arith.index_cast %get3A_389 : i32 to index
      %get3A_391 = arith.constant 432 : index
      %get3A_392 = tpu.vector_load %arg4[%get3A_390, %get3A_391] {strides = array<i32>} : memref<1x1024xf32, #tpu.memory_space<vmem>>, vector<1x16xf32>,
      %get3A_393 = vector.shape_cast %get3A_392 : vector<1x16xf32> to vector<16xf32>
      %mul3A_394 = arith.constant 4.0029031E-6 : f32
      %mul3A_395 = vector.broadcast %mul3A_394 : f32 to vector<16xf32>
      %mul3A_396 = arith.mulf %get3A_393, %mul3A_395 : vector<16xf32>
      %swap3A_397 = arith.constant 0 : i32
      %swap3A_398 = arith.index_cast %swap3A_397 : i32 to index
      %swap3A_399 = arith.constant 432 : index
      %swap3A_400 = tpu.vector_load %arg4[%swap3A_398, %swap3A_399] {strides = array<i32>} : memref<1x1024xf32, #tpu.memory_space<vmem>>, vector<1x16xf32>,
      %swap3A_401 = vector.shape_cast %swap3A_400 : vector<1x16xf32> to vector<16xf32>
      %swap3A_402 = vector.shape_cast %mul3A_396 : vector<16xf32> to vector<1x16xf32>
      tpu.vector_store %arg4[%swap3A_398, %swap3A_399], %swap3A_402 {strides = array<i32>} : memref<1x1024xf32, #tpu.memory_space<vmem>>, vector<1x16xf32>,
      %get3A_403 = arith.constant 0 : i32
      %get3A_404 = arith.index_cast %get3A_403 : i32 to index
      %get3A_405 = arith.constant 448 : index
      %get3A_406 = tpu.vector_load %arg4[%get3A_404, %get3A_405] {strides = array<i32>} : memref<1x1024xf32, #tpu.memory_space<vmem>>, vector<1x16xf32>,
      %get3A_407 = vector.shape_cast %get3A_406 : vector<1x16xf32> to vector<16xf32>
      %mul3A_408 = arith.constant 4.0029031E-6 : f32
      %mul3A_409 = vector.broadcast %mul3A_408 : f32 to vector<16xf32>
      %mul3A_410 = arith.mulf %get3A_407, %mul3A_409 : vector<16xf32>
      %swap3A_411 = arith.constant 0 : i32
      %swap3A_412 = arith.index_cast %swap3A_411 : i32 to index
      %swap3A_413 = arith.constant 448 : index
      %swap3A_414 = tpu.vector_load %arg4[%swap3A_412, %swap3A_413] {strides = array<i32>} : memref<1x1024xf32, #tpu.memory_space<vmem>>, vector<1x16xf32>,
      %swap3A_415 = vector.shape_cast %swap3A_414 : vector<1x16xf32> to vector<16xf32>
      %swap3A_416 = vector.shape_cast %mul3A_410 : vector<16xf32> to vector<1x16xf32>
      tpu.vector_store %arg4[%swap3A_412, %swap3A_413], %swap3A_416 {strides = array<i32>} : memref<1x1024xf32, #tpu.memory_space<vmem>>, vector<1x16xf32>,
      %get3A_417 = arith.constant 0 : i32
      %get3A_418 = arith.index_cast %get3A_417 : i32 to index
      %get3A_419 = arith.constant 464 : index
      %get3A_420 = tpu.vector_load %arg4[%get3A_418, %get3A_419] {strides = array<i32>} : memref<1x1024xf32, #tpu.memory_space<vmem>>, vector<1x16xf32>,
      %get3A_421 = vector.shape_cast %get3A_420 : vector<1x16xf32> to vector<16xf32>
      %mul3A_422 = arith.constant 4.0029031E-6 : f32
      %mul3A_423 = vector.broadcast %mul3A_422 : f32 to vector<16xf32>
      %mul3A_424 = arith.mulf %get3A_421, %mul3A_423 : vector<16xf32>
      %swap3A_425 = arith.constant 0 : i32
      %swap3A_426 = arith.index_cast %swap3A_425 : i32 to index
      %swap3A_427 = arith.constant 464 : index
      %swap3A_428 = tpu.vector_load %arg4[%swap3A_426, %swap3A_427] {strides = array<i32>} : memref<1x1024xf32, #tpu.memory_space<vmem>>, vector<1x16xf32>,
      %swap3A_429 = vector.shape_cast %swap3A_428 : vector<1x16xf32> to vector<16xf32>
      %swap3A_430 = vector.shape_cast %mul3A_424 : vector<16xf32> to vector<1x16xf32>
      tpu.vector_store %arg4[%swap3A_426, %swap3A_427], %swap3A_430 {strides = array<i32>} : memref<1x1024xf32, #tpu.memory_space<vmem>>, vector<1x16xf32>,
      %get3A_431 = arith.constant 0 : i32
      %get3A_432 = arith.index_cast %get3A_431 : i32 to index
      %get3A_433 = arith.constant 480 : index
      %get3A_434 = tpu.vector_load %arg4[%get3A_432, %get3A_433] {strides = array<i32>} : memref<1x1024xf32, #tpu.memory_space<vmem>>, vector<1x16xf32>,
      %get3A_435 = vector.shape_cast %get3A_434 : vector<1x16xf32> to vector<16xf32>
      %mul3A_436 = arith.constant 4.0029031E-6 : f32
      %mul3A_437 = vector.broadcast %mul3A_436 : f32 to vector<16xf32>
      %mul3A_438 = arith.mulf %get3A_435, %mul3A_437 : vector<16xf32>
      %swap3A_439 = arith.constant 0 : i32
      %swap3A_440 = arith.index_cast %swap3A_439 : i32 to index
      %swap3A_441 = arith.constant 480 : index
      %swap3A_442 = tpu.vector_load %arg4[%swap3A_440, %swap3A_441] {strides = array<i32>} : memref<1x1024xf32, #tpu.memory_space<vmem>>, vector<1x16xf32>,
      %swap3A_443 = vector.shape_cast %swap3A_442 : vector<1x16xf32> to vector<16xf32>
      %swap3A_444 = vector.shape_cast %mul3A_438 : vector<16xf32> to vector<1x16xf32>
      tpu.vector_store %arg4[%swap3A_440, %swap3A_441], %swap3A_444 {strides = array<i32>} : memref<1x1024xf32, #tpu.memory_space<vmem>>, vector<1x16xf32>,
      %get3A_445 = arith.constant 0 : i32
      %get3A_446 = arith.index_cast %get3A_445 : i32 to index
      %get3A_447 = arith.constant 496 : index
      %get3A_448 = tpu.vector_load %arg4[%get3A_446, %get3A_447] {strides = array<i32>} : memref<1x1024xf32, #tpu.memory_space<vmem>>, vector<1x16xf32>,
      %get3A_449 = vector.shape_cast %get3A_448 : vector<1x16xf32> to vector<16xf32>
      %mul3A_450 = arith.constant 4.0029031E-6 : f32
      %mul3A_451 = vector.broadcast %mul3A_450 : f32 to vector<16xf32>
      %mul3A_452 = arith.mulf %get3A_449, %mul3A_451 : vector<16xf32>
      %swap3A_453 = arith.constant 0 : i32
      %swap3A_454 = arith.index_cast %swap3A_453 : i32 to index
      %swap3A_455 = arith.constant 496 : index
      %swap3A_456 = tpu.vector_load %arg4[%swap3A_454, %swap3A_455] {strides = array<i32>} : memref<1x1024xf32, #tpu.memory_space<vmem>>, vector<1x16xf32>,
      %swap3A_457 = vector.shape_cast %swap3A_456 : vector<1x16xf32> to vector<16xf32>
      %swap3A_458 = vector.shape_cast %mul3A_452 : vector<16xf32> to vector<1x16xf32>
      tpu.vector_store %arg4[%swap3A_454, %swap3A_455], %swap3A_458 {strides = array<i32>} : memref<1x1024xf32, #tpu.memory_space<vmem>>, vector<1x16xf32>,
      %get3A_459 = arith.constant 0 : i32
      %get3A_460 = arith.index_cast %get3A_459 : i32 to index
      %get3A_461 = arith.constant 512 : index
      %get3A_462 = tpu.vector_load %arg4[%get3A_460, %get3A_461] {strides = array<i32>} : memref<1x1024xf32, #tpu.memory_space<vmem>>, vector<1x16xf32>,
      %get3A_463 = vector.shape_cast %get3A_462 : vector<1x16xf32> to vector<16xf32>
      %mul3A_464 = arith.constant 4.0029031E-6 : f32
      %mul3A_465 = vector.broadcast %mul3A_464 : f32 to vector<16xf32>
      %mul3A_466 = arith.mulf %get3A_463, %mul3A_465 : vector<16xf32>
      %swap3A_467 = arith.constant 0 : i32
      %swap3A_468 = arith.index_cast %swap3A_467 : i32 to index
      %swap3A_469 = arith.constant 512 : index
      %swap3A_470 = tpu.vector_load %arg4[%swap3A_468, %swap3A_469] {strides = array<i32>} : memref<1x1024xf32, #tpu.memory_space<vmem>>, vector<1x16xf32>,
      %swap3A_471 = vector.shape_cast %swap3A_470 : vector<1x16xf32> to vector<16xf32>
      %swap3A_472 = vector.shape_cast %mul3A_466 : vector<16xf32> to vector<1x16xf32>
      tpu.vector_store %arg4[%swap3A_468, %swap3A_469], %swap3A_472 {strides = array<i32>} : memref<1x1024xf32, #tpu.memory_space<vmem>>, vector<1x16xf32>,
      %get3A_473 = arith.constant 0 : i32
      %get3A_474 = arith.index_cast %get3A_473 : i32 to index
      %get3A_475 = arith.constant 528 : index
      %get3A_476 = tpu.vector_load %arg4[%get3A_474, %get3A_475] {strides = array<i32>} : memref<1x1024xf32, #tpu.memory_space<vmem>>, vector<1x16xf32>,
      %get3A_477 = vector.shape_cast %get3A_476 : vector<1x16xf32> to vector<16xf32>
      %mul3A_478 = arith.constant 4.0029031E-6 : f32
      %mul3A_479 = vector.broadcast %mul3A_478 : f32 to vector<16xf32>
      %mul3A_480 = arith.mulf %get3A_477, %mul3A_479 : vector<16xf32>
      %swap3A_481 = arith.constant 0 : i32
      %swap3A_482 = arith.index_cast %swap3A_481 : i32 to index
      %swap3A_483 = arith.constant 528 : index
      %swap3A_484 = tpu.vector_load %arg4[%swap3A_482, %swap3A_483] {strides = array<i32>} : memref<1x1024xf32, #tpu.memory_space<vmem>>, vector<1x16xf32>,
      %swap3A_485 = vector.shape_cast %swap3A_484 : vector<1x16xf32> to vector<16xf32>
      %swap3A_486 = vector.shape_cast %mul3A_480 : vector<16xf32> to vector<1x16xf32>
      tpu.vector_store %arg4[%swap3A_482, %swap3A_483], %swap3A_486 {strides = array<i32>} : memref<1x1024xf32, #tpu.memory_space<vmem>>, vector<1x16xf32>,
      %get3A_487 = arith.constant 0 : i32
      %get3A_488 = arith.index_cast %get3A_487 : i32 to index
      %get3A_489 = arith.constant 544 : index
      %get3A_490 = tpu.vector_load %arg4[%get3A_488, %get3A_489] {strides = array<i32>} : memref<1x1024xf32, #tpu.memory_space<vmem>>, vector<1x16xf32>,
      %get3A_491 = vector.shape_cast %get3A_490 : vector<1x16xf32> to vector<16xf32>
      %mul3A_492 = arith.constant 4.0029031E-6 : f32
      %mul3A_493 = vector.broadcast %mul3A_492 : f32 to vector<16xf32>
      %mul3A_494 = arith.mulf %get3A_491, %mul3A_493 : vector<16xf32>
      %swap3A_495 = arith.constant 0 : i32
      %swap3A_496 = arith.index_cast %swap3A_495 : i32 to index
      %swap3A_497 = arith.constant 544 : index
      %swap3A_498 = tpu.vector_load %arg4[%swap3A_496, %swap3A_497] {strides = array<i32>} : memref<1x1024xf32, #tpu.memory_space<vmem>>, vector<1x16xf32>,
      %swap3A_499 = vector.shape_cast %swap3A_498 : vector<1x16xf32> to vector<16xf32>
      %swap3A_500 = vector.shape_cast %mul3A_494 : vector<16xf32> to vector<1x16xf32>
      tpu.vector_store %arg4[%swap3A_496, %swap3A_497], %swap3A_500 {strides = array<i32>} : memref<1x1024xf32, #tpu.memory_space<vmem>>, vector<1x16xf32>,
      %get3A_501 = arith.constant 0 : i32
      %get3A_502 = arith.index_cast %get3A_501 : i32 to index
      %get3A_503 = arith.constant 560 : index
      %get3A_504 = tpu.vector_load %arg4[%get3A_502, %get3A_503] {strides = array<i32>} : memref<1x1024xf32, #tpu.memory_space<vmem>>, vector<1x16xf32>,
      %get3A_505 = vector.shape_cast %get3A_504 : vector<1x16xf32> to vector<16xf32>
      %mul3A_506 = arith.constant 4.0029031E-6 : f32
      %mul3A_507 = vector.broadcast %mul3A_506 : f32 to vector<16xf32>
      %mul3A_508 = arith.mulf %get3A_505, %mul3A_507 : vector<16xf32>
      %swap3A_509 = arith.constant 0 : i32
      %swap3A_510 = arith.index_cast %swap3A_509 : i32 to index
      %swap3A_511 = arith.constant 560 : index
      %swap3A_512 = tpu.vector_load %arg4[%swap3A_510, %swap3A_511] {strides = array<i32>} : memref<1x1024xf32, #tpu.memory_space<vmem>>, vector<1x16xf32>,
      %swap3A_513 = vector.shape_cast %swap3A_512 : vector<1x16xf32> to vector<16xf32>
      %swap3A_514 = vector.shape_cast %mul3A_508 : vector<16xf32> to vector<1x16xf32>
      tpu.vector_store %arg4[%swap3A_510, %swap3A_511], %swap3A_514 {strides = array<i32>} : memref<1x1024xf32, #tpu.memory_space<vmem>>, vector<1x16xf32>,
      %get3A_515 = arith.constant 0 : i32
      %get3A_516 = arith.index_cast %get3A_515 : i32 to index
      %get3A_517 = arith.constant 576 : index
      %get3A_518 = tpu.vector_load %arg4[%get3A_516, %get3A_517] {strides = array<i32>} : memref<1x1024xf32, #tpu.memory_space<vmem>>, vector<1x16xf32>,
      %get3A_519 = vector.shape_cast %get3A_518 : vector<1x16xf32> to vector<16xf32>
      %mul3A_520 = arith.constant 4.0029031E-6 : f32
      %mul3A_521 = vector.broadcast %mul3A_520 : f32 to vector<16xf32>
      %mul3A_522 = arith.mulf %get3A_519, %mul3A_521 : vector<16xf32>
      %swap3A_523 = arith.constant 0 : i32
      %swap3A_524 = arith.index_cast %swap3A_523 : i32 to index
      %swap3A_525 = arith.constant 576 : index
      %swap3A_526 = tpu.vector_load %arg4[%swap3A_524, %swap3A_525] {strides = array<i32>} : memref<1x1024xf32, #tpu.memory_space<vmem>>, vector<1x16xf32>,
      %swap3A_527 = vector.shape_cast %swap3A_526 : vector<1x16xf32> to vector<16xf32>
      %swap3A_528 = vector.shape_cast %mul3A_522 : vector<16xf32> to vector<1x16xf32>
      tpu.vector_store %arg4[%swap3A_524, %swap3A_525], %swap3A_528 {strides = array<i32>} : memref<1x1024xf32, #tpu.memory_space<vmem>>, vector<1x16xf32>,
      %get3A_529 = arith.constant 0 : i32
      %get3A_530 = arith.index_cast %get3A_529 : i32 to index
      %get3A_531 = arith.constant 592 : index
      %get3A_532 = tpu.vector_load %arg4[%get3A_530, %get3A_531] {strides = array<i32>} : memref<1x1024xf32, #tpu.memory_space<vmem>>, vector<1x16xf32>,
      %get3A_533 = vector.shape_cast %get3A_532 : vector<1x16xf32> to vector<16xf32>
      %mul3A_534 = arith.constant 4.0029031E-6 : f32
      %mul3A_535 = vector.broadcast %mul3A_534 : f32 to vector<16xf32>
      %mul3A_536 = arith.mulf %get3A_533, %mul3A_535 : vector<16xf32>
      %swap3A_537 = arith.constant 0 : i32
      %swap3A_538 = arith.index_cast %swap3A_537 : i32 to index
      %swap3A_539 = arith.constant 592 : index
      %swap3A_540 = tpu.vector_load %arg4[%swap3A_538, %swap3A_539] {strides = array<i32>} : memref<1x1024xf32, #tpu.memory_space<vmem>>, vector<1x16xf32>,
      %swap3A_541 = vector.shape_cast %swap3A_540 : vector<1x16xf32> to vector<16xf32>
      %swap3A_542 = vector.shape_cast %mul3A_536 : vector<16xf32> to vector<1x16xf32>
      tpu.vector_store %arg4[%swap3A_538, %swap3A_539], %swap3A_542 {strides = array<i32>} : memref<1x1024xf32, #tpu.memory_space<vmem>>, vector<1x16xf32>,
      %get3A_543 = arith.constant 0 : i32
      %get3A_544 = arith.index_cast %get3A_543 : i32 to index
      %get3A_545 = arith.constant 608 : index
      %get3A_546 = tpu.vector_load %arg4[%get3A_544, %get3A_545] {strides = array<i32>} : memref<1x1024xf32, #tpu.memory_space<vmem>>, vector<1x16xf32>,
      %get3A_547 = vector.shape_cast %get3A_546 : vector<1x16xf32> to vector<16xf32>
      %mul3A_548 = arith.constant 4.0029031E-6 : f32
      %mul3A_549 = vector.broadcast %mul3A_548 : f32 to vector<16xf32>
      %mul3A_550 = arith.mulf %get3A_547, %mul3A_549 : vector<16xf32>
      %swap3A_551 = arith.constant 0 : i32
      %swap3A_552 = arith.index_cast %swap3A_551 : i32 to index
      %swap3A_553 = arith.constant 608 : index
      %swap3A_554 = tpu.vector_load %arg4[%swap3A_552, %swap3A_553] {strides = array<i32>} : memref<1x1024xf32, #tpu.memory_space<vmem>>, vector<1x16xf32>,
      %swap3A_555 = vector.shape_cast %swap3A_554 : vector<1x16xf32> to vector<16xf32>
      %swap3A_556 = vector.shape_cast %mul3A_550 : vector<16xf32> to vector<1x16xf32>
      tpu.vector_store %arg4[%swap3A_552, %swap3A_553], %swap3A_556 {strides = array<i32>} : memref<1x1024xf32, #tpu.memory_space<vmem>>, vector<1x16xf32>,
      %get3A_557 = arith.constant 0 : i32
      %get3A_558 = arith.index_cast %get3A_557 : i32 to index
      %get3A_559 = arith.constant 624 : index
      %get3A_560 = tpu.vector_load %arg4[%get3A_558, %get3A_559] {strides = array<i32>} : memref<1x1024xf32, #tpu.memory_space<vmem>>, vector<1x16xf32>,
      %get3A_561 = vector.shape_cast %get3A_560 : vector<1x16xf32> to vector<16xf32>
      %mul3A_562 = arith.constant 4.0029031E-6 : f32
      %mul3A_563 = vector.broadcast %mul3A_562 : f32 to vector<16xf32>
      %mul3A_564 = arith.mulf %get3A_561, %mul3A_563 : vector<16xf32>
      %swap3A_565 = arith.constant 0 : i32
      %swap3A_566 = arith.index_cast %swap3A_565 : i32 to index
      %swap3A_567 = arith.constant 624 : index
      %swap3A_568 = tpu.vector_load %arg4[%swap3A_566, %swap3A_567] {strides = array<i32>} : memref<1x1024xf32, #tpu.memory_space<vmem>>, vector<1x16xf32>,
      %swap3A_569 = vector.shape_cast %swap3A_568 : vector<1x16xf32> to vector<16xf32>
      %swap3A_570 = vector.shape_cast %mul3A_564 : vector<16xf32> to vector<1x16xf32>
      tpu.vector_store %arg4[%swap3A_566, %swap3A_567], %swap3A_570 {strides = array<i32>} : memref<1x1024xf32, #tpu.memory_space<vmem>>, vector<1x16xf32>,
      %get3A_571 = arith.constant 0 : i32
      %get3A_572 = arith.index_cast %get3A_571 : i32 to index
      %get3A_573 = arith.constant 640 : index
      %get3A_574 = tpu.vector_load %arg4[%get3A_572, %get3A_573] {strides = array<i32>} : memref<1x1024xf32, #tpu.memory_space<vmem>>, vector<1x16xf32>,
      %get3A_575 = vector.shape_cast %get3A_574 : vector<1x16xf32> to vector<16xf32>
      %mul3A_576 = arith.constant 4.0029031E-6 : f32
      %mul3A_577 = vector.broadcast %mul3A_576 : f32 to vector<16xf32>
      %mul3A_578 = arith.mulf %get3A_575, %mul3A_577 : vector<16xf32>
      %swap3A_579 = arith.constant 0 : i32
      %swap3A_580 = arith.index_cast %swap3A_579 : i32 to index
      %swap3A_581 = arith.constant 640 : index
      %swap3A_582 = tpu.vector_load %arg4[%swap3A_580, %swap3A_581] {strides = array<i32>} : memref<1x1024xf32, #tpu.memory_space<vmem>>, vector<1x16xf32>,
      %swap3A_583 = vector.shape_cast %swap3A_582 : vector<1x16xf32> to vector<16xf32>
      %swap3A_584 = vector.shape_cast %mul3A_578 : vector<16xf32> to vector<1x16xf32>
      tpu.vector_store %arg4[%swap3A_580, %swap3A_581], %swap3A_584 {strides = array<i32>} : memref<1x1024xf32, #tpu.memory_space<vmem>>, vector<1x16xf32>,
      %get3A_585 = arith.constant 0 : i32
      %get3A_586 = arith.index_cast %get3A_585 : i32 to index
      %get3A_587 = arith.constant 656 : index
      %get3A_588 = tpu.vector_load %arg4[%get3A_586, %get3A_587] {strides = array<i32>} : memref<1x1024xf32, #tpu.memory_space<vmem>>, vector<1x16xf32>,
      %get3A_589 = vector.shape_cast %get3A_588 : vector<1x16xf32> to vector<16xf32>
      %mul3A_590 = arith.constant 4.0029031E-6 : f32
      %mul3A_591 = vector.broadcast %mul3A_590 : f32 to vector<16xf32>
      %mul3A_592 = arith.mulf %get3A_589, %mul3A_591 : vector<16xf32>
      %swap3A_593 = arith.constant 0 : i32
      %swap3A_594 = arith.index_cast %swap3A_593 : i32 to index
      %swap3A_595 = arith.constant 656 : index
      %swap3A_596 = tpu.vector_load %arg4[%swap3A_594, %swap3A_595] {strides = array<i32>} : memref<1x1024xf32, #tpu.memory_space<vmem>>, vector<1x16xf32>,
      %swap3A_597 = vector.shape_cast %swap3A_596 : vector<1x16xf32> to vector<16xf32>
      %swap3A_598 = vector.shape_cast %mul3A_592 : vector<16xf32> to vector<1x16xf32>
      tpu.vector_store %arg4[%swap3A_594, %swap3A_595], %swap3A_598 {strides = array<i32>} : memref<1x1024xf32, #tpu.memory_space<vmem>>, vector<1x16xf32>,
      %get3A_599 = arith.constant 0 : i32
      %get3A_600 = arith.index_cast %get3A_599 : i32 to index
      %get3A_601 = arith.constant 672 : index
      %get3A_602 = tpu.vector_load %arg4[%get3A_600, %get3A_601] {strides = array<i32>} : memref<1x1024xf32, #tpu.memory_space<vmem>>, vector<1x16xf32>,
      %get3A_603 = vector.shape_cast %get3A_602 : vector<1x16xf32> to vector<16xf32>
      %mul3A_604 = arith.constant 4.0029031E-6 : f32
      %mul3A_605 = vector.broadcast %mul3A_604 : f32 to vector<16xf32>
      %mul3A_606 = arith.mulf %get3A_603, %mul3A_605 : vector<16xf32>
      %swap3A_607 = arith.constant 0 : i32
      %swap3A_608 = arith.index_cast %swap3A_607 : i32 to index
      %swap3A_609 = arith.constant 672 : index
      %swap3A_610 = tpu.vector_load %arg4[%swap3A_608, %swap3A_609] {strides = array<i32>} : memref<1x1024xf32, #tpu.memory_space<vmem>>, vector<1x16xf32>,
      %swap3A_611 = vector.shape_cast %swap3A_610 : vector<1x16xf32> to vector<16xf32>
      %swap3A_612 = vector.shape_cast %mul3A_606 : vector<16xf32> to vector<1x16xf32>
      tpu.vector_store %arg4[%swap3A_608, %swap3A_609], %swap3A_612 {strides = array<i32>} : memref<1x1024xf32, #tpu.memory_space<vmem>>, vector<1x16xf32>,
      %get3A_613 = arith.constant 0 : i32
      %get3A_614 = arith.index_cast %get3A_613 : i32 to index
      %get3A_615 = arith.constant 688 : index
      %get3A_616 = tpu.vector_load %arg4[%get3A_614, %get3A_615] {strides = array<i32>} : memref<1x1024xf32, #tpu.memory_space<vmem>>, vector<1x16xf32>,
      %get3A_617 = vector.shape_cast %get3A_616 : vector<1x16xf32> to vector<16xf32>
      %mul3A_618 = arith.constant 4.0029031E-6 : f32
      %mul3A_619 = vector.broadcast %mul3A_618 : f32 to vector<16xf32>
      %mul3A_620 = arith.mulf %get3A_617, %mul3A_619 : vector<16xf32>
      %swap3A_621 = arith.constant 0 : i32
      %swap3A_622 = arith.index_cast %swap3A_621 : i32 to index
      %swap3A_623 = arith.constant 688 : index
      %swap3A_624 = tpu.vector_load %arg4[%swap3A_622, %swap3A_623] {strides = array<i32>} : memref<1x1024xf32, #tpu.memory_space<vmem>>, vector<1x16xf32>,
      %swap3A_625 = vector.shape_cast %swap3A_624 : vector<1x16xf32> to vector<16xf32>
      %swap3A_626 = vector.shape_cast %mul3A_620 : vector<16xf32> to vector<1x16xf32>
      tpu.vector_store %arg4[%swap3A_622, %swap3A_623], %swap3A_626 {strides = array<i32>} : memref<1x1024xf32, #tpu.memory_space<vmem>>, vector<1x16xf32>,
      %get3A_627 = arith.constant 0 : i32
      %get3A_628 = arith.index_cast %get3A_627 : i32 to index
      %get3A_629 = arith.constant 704 : index
      %get3A_630 = tpu.vector_load %arg4[%get3A_628, %get3A_629] {strides = array<i32>} : memref<1x1024xf32, #tpu.memory_space<vmem>>, vector<1x16xf32>,
      %get3A_631 = vector.shape_cast %get3A_630 : vector<1x16xf32> to vector<16xf32>
      %mul3A_632 = arith.constant 4.0029031E-6 : f32
      %mul3A_633 = vector.broadcast %mul3A_632 : f32 to vector<16xf32>
      %mul3A_634 = arith.mulf %get3A_631, %mul3A_633 : vector<16xf32>
      %swap3A_635 = arith.constant 0 : i32
      %swap3A_636 = arith.index_cast %swap3A_635 : i32 to index
      %swap3A_637 = arith.constant 704 : index
      %swap3A_638 = tpu.vector_load %arg4[%swap3A_636, %swap3A_637] {strides = array<i32>} : memref<1x1024xf32, #tpu.memory_space<vmem>>, vector<1x16xf32>,
      %swap3A_639 = vector.shape_cast %swap3A_638 : vector<1x16xf32> to vector<16xf32>
      %swap3A_640 = vector.shape_cast %mul3A_634 : vector<16xf32> to vector<1x16xf32>
      tpu.vector_store %arg4[%swap3A_636, %swap3A_637], %swap3A_640 {strides = array<i32>} : memref<1x1024xf32, #tpu.memory_space<vmem>>, vector<1x16xf32>,
      %get3A_641 = arith.constant 0 : i32
      %get3A_642 = arith.index_cast %get3A_641 : i32 to index
      %get3A_643 = arith.constant 720 : index
      %get3A_644 = tpu.vector_load %arg4[%get3A_642, %get3A_643] {strides = array<i32>} : memref<1x1024xf32, #tpu.memory_space<vmem>>, vector<1x16xf32>,
      %get3A_645 = vector.shape_cast %get3A_644 : vector<1x16xf32> to vector<16xf32>
      %mul3A_646 = arith.constant 4.0029031E-6 : f32
      %mul3A_647 = vector.broadcast %mul3A_646 : f32 to vector<16xf32>
      %mul3A_648 = arith.mulf %get3A_645, %mul3A_647 : vector<16xf32>
      %swap3A_649 = arith.constant 0 : i32
      %swap3A_650 = arith.index_cast %swap3A_649 : i32 to index
      %swap3A_651 = arith.constant 720 : index
      %swap3A_652 = tpu.vector_load %arg4[%swap3A_650, %swap3A_651] {strides = array<i32>} : memref<1x1024xf32, #tpu.memory_space<vmem>>, vector<1x16xf32>,
      %swap3A_653 = vector.shape_cast %swap3A_652 : vector<1x16xf32> to vector<16xf32>
      %swap3A_654 = vector.shape_cast %mul3A_648 : vector<16xf32> to vector<1x16xf32>
      tpu.vector_store %arg4[%swap3A_650, %swap3A_651], %swap3A_654 {strides = array<i32>} : memref<1x1024xf32, #tpu.memory_space<vmem>>, vector<1x16xf32>,
      %get3A_655 = arith.constant 0 : i32
      %get3A_656 = arith.index_cast %get3A_655 : i32 to index
      %get3A_657 = arith.constant 736 : index
      %get3A_658 = tpu.vector_load %arg4[%get3A_656, %get3A_657] {strides = array<i32>} : memref<1x1024xf32, #tpu.memory_space<vmem>>, vector<1x16xf32>,
      %get3A_659 = vector.shape_cast %get3A_658 : vector<1x16xf32> to vector<16xf32>
      %mul3A_660 = arith.constant 4.0029031E-6 : f32
      %mul3A_661 = vector.broadcast %mul3A_660 : f32 to vector<16xf32>
      %mul3A_662 = arith.mulf %get3A_659, %mul3A_661 : vector<16xf32>
      %swap3A_663 = arith.constant 0 : i32
      %swap3A_664 = arith.index_cast %swap3A_663 : i32 to index
      %swap3A_665 = arith.constant 736 : index
      %swap3A_666 = tpu.vector_load %arg4[%swap3A_664, %swap3A_665] {strides = array<i32>} : memref<1x1024xf32, #tpu.memory_space<vmem>>, vector<1x16xf32>,
      %swap3A_667 = vector.shape_cast %swap3A_666 : vector<1x16xf32> to vector<16xf32>
      %swap3A_668 = vector.shape_cast %mul3A_662 : vector<16xf32> to vector<1x16xf32>
      tpu.vector_store %arg4[%swap3A_664, %swap3A_665], %swap3A_668 {strides = array<i32>} : memref<1x1024xf32, #tpu.memory_space<vmem>>, vector<1x16xf32>,
      %get3A_669 = arith.constant 0 : i32
      %get3A_670 = arith.index_cast %get3A_669 : i32 to index
      %get3A_671 = arith.constant 752 : index
      %get3A_672 = tpu.vector_load %arg4[%get3A_670, %get3A_671] {strides = array<i32>} : memref<1x1024xf32, #tpu.memory_space<vmem>>, vector<1x16xf32>,
      %get3A_673 = vector.shape_cast %get3A_672 : vector<1x16xf32> to vector<16xf32>
      %mul3A_674 = arith.constant 4.0029031E-6 : f32
      %mul3A_675 = vector.broadcast %mul3A_674 : f32 to vector<16xf32>
      %mul3A_676 = arith.mulf %get3A_673, %mul3A_675 : vector<16xf32>
      %swap3A_677 = arith.constant 0 : i32
      %swap3A_678 = arith.index_cast %swap3A_677 : i32 to index
      %swap3A_679 = arith.constant 752 : index
      %swap3A_680 = tpu.vector_load %arg4[%swap3A_678, %swap3A_679] {strides = array<i32>} : memref<1x1024xf32, #tpu.memory_space<vmem>>, vector<1x16xf32>,
      %swap3A_681 = vector.shape_cast %swap3A_680 : vector<1x16xf32> to vector<16xf32>
      %swap3A_682 = vector.shape_cast %mul3A_676 : vector<16xf32> to vector<1x16xf32>
      tpu.vector_store %arg4[%swap3A_678, %swap3A_679], %swap3A_682 {strides = array<i32>} : memref<1x1024xf32, #tpu.memory_space<vmem>>, vector<1x16xf32>,
      %get3A_683 = arith.constant 0 : i32
      %get3A_684 = arith.index_cast %get3A_683 : i32 to index
      %get3A_685 = arith.constant 768 : index
      %get3A_686 = tpu.vector_load %arg4[%get3A_684, %get3A_685] {strides = array<i32>} : memref<1x1024xf32, #tpu.memory_space<vmem>>, vector<1x16xf32>,
      %get3A_687 = vector.shape_cast %get3A_686 : vector<1x16xf32> to vector<16xf32>
      %mul3A_688 = arith.constant 4.0029031E-6 : f32
      %mul3A_689 = vector.broadcast %mul3A_688 : f32 to vector<16xf32>
      %mul3A_690 = arith.mulf %get3A_687, %mul3A_689 : vector<16xf32>
      %swap3A_691 = arith.constant 0 : i32
      %swap3A_692 = arith.index_cast %swap3A_691 : i32 to index
      %swap3A_693 = arith.constant 768 : index
      %swap3A_694 = tpu.vector_load %arg4[%swap3A_692, %swap3A_693] {strides = array<i32>} : memref<1x1024xf32, #tpu.memory_space<vmem>>, vector<1x16xf32>,
      %swap3A_695 = vector.shape_cast %swap3A_694 : vector<1x16xf32> to vector<16xf32>
      %swap3A_696 = vector.shape_cast %mul3A_690 : vector<16xf32> to vector<1x16xf32>
      tpu.vector_store %arg4[%swap3A_692, %swap3A_693], %swap3A_696 {strides = array<i32>} : memref<1x1024xf32, #tpu.memory_space<vmem>>, vector<1x16xf32>,
      %get3A_697 = arith.constant 0 : i32
      %get3A_698 = arith.index_cast %get3A_697 : i32 to index
      %get3A_699 = arith.constant 784 : index
      %get3A_700 = tpu.vector_load %arg4[%get3A_698, %get3A_699] {strides = array<i32>} : memref<1x1024xf32, #tpu.memory_space<vmem>>, vector<1x16xf32>,
      %get3A_701 = vector.shape_cast %get3A_700 : vector<1x16xf32> to vector<16xf32>
      %mul3A_702 = arith.constant 4.0029031E-6 : f32
      %mul3A_703 = vector.broadcast %mul3A_702 : f32 to vector<16xf32>
      %mul3A_704 = arith.mulf %get3A_701, %mul3A_703 : vector<16xf32>
      %swap3A_705 = arith.constant 0 : i32
      %swap3A_706 = arith.index_cast %swap3A_705 : i32 to index
      %swap3A_707 = arith.constant 784 : index
      %swap3A_708 = tpu.vector_load %arg4[%swap3A_706, %swap3A_707] {strides = array<i32>} : memref<1x1024xf32, #tpu.memory_space<vmem>>, vector<1x16xf32>,
      %swap3A_709 = vector.shape_cast %swap3A_708 : vector<1x16xf32> to vector<16xf32>
      %swap3A_710 = vector.shape_cast %mul3A_704 : vector<16xf32> to vector<1x16xf32>
      tpu.vector_store %arg4[%swap3A_706, %swap3A_707], %swap3A_710 {strides = array<i32>} : memref<1x1024xf32, #tpu.memory_space<vmem>>, vector<1x16xf32>,
      %get3A_711 = arith.constant 0 : i32
      %get3A_712 = arith.index_cast %get3A_711 : i32 to index
      %get3A_713 = arith.constant 800 : index
      %get3A_714 = tpu.vector_load %arg4[%get3A_712, %get3A_713] {strides = array<i32>} : memref<1x1024xf32, #tpu.memory_space<vmem>>, vector<1x16xf32>,
      %get3A_715 = vector.shape_cast %get3A_714 : vector<1x16xf32> to vector<16xf32>
      %mul3A_716 = arith.constant 4.0029031E-6 : f32
      %mul3A_717 = vector.broadcast %mul3A_716 : f32 to vector<16xf32>
      %mul3A_718 = arith.mulf %get3A_715, %mul3A_717 : vector<16xf32>
      %swap3A_719 = arith.constant 0 : i32
      %swap3A_720 = arith.index_cast %swap3A_719 : i32 to index
      %swap3A_721 = arith.constant 800 : index
      %swap3A_722 = tpu.vector_load %arg4[%swap3A_720, %swap3A_721] {strides = array<i32>} : memref<1x1024xf32, #tpu.memory_space<vmem>>, vector<1x16xf32>,
      %swap3A_723 = vector.shape_cast %swap3A_722 : vector<1x16xf32> to vector<16xf32>
      %swap3A_724 = vector.shape_cast %mul3A_718 : vector<16xf32> to vector<1x16xf32>
      tpu.vector_store %arg4[%swap3A_720, %swap3A_721], %swap3A_724 {strides = array<i32>} : memref<1x1024xf32, #tpu.memory_space<vmem>>, vector<1x16xf32>,
      %get3A_725 = arith.constant 0 : i32
      %get3A_726 = arith.index_cast %get3A_725 : i32 to index
      %get3A_727 = arith.constant 816 : index
      %get3A_728 = tpu.vector_load %arg4[%get3A_726, %get3A_727] {strides = array<i32>} : memref<1x1024xf32, #tpu.memory_space<vmem>>, vector<1x16xf32>,
      %get3A_729 = vector.shape_cast %get3A_728 : vector<1x16xf32> to vector<16xf32>
      %mul3A_730 = arith.constant 4.0029031E-6 : f32
      %mul3A_731 = vector.broadcast %mul3A_730 : f32 to vector<16xf32>
      %mul3A_732 = arith.mulf %get3A_729, %mul3A_731 : vector<16xf32>
      %swap3A_733 = arith.constant 0 : i32
      %swap3A_734 = arith.index_cast %swap3A_733 : i32 to index
      %swap3A_735 = arith.constant 816 : index
      %swap3A_736 = tpu.vector_load %arg4[%swap3A_734, %swap3A_735] {strides = array<i32>} : memref<1x1024xf32, #tpu.memory_space<vmem>>, vector<1x16xf32>,
      %swap3A_737 = vector.shape_cast %swap3A_736 : vector<1x16xf32> to vector<16xf32>
      %swap3A_738 = vector.shape_cast %mul3A_732 : vector<16xf32> to vector<1x16xf32>
      tpu.vector_store %arg4[%swap3A_734, %swap3A_735], %swap3A_738 {strides = array<i32>} : memref<1x1024xf32, #tpu.memory_space<vmem>>, vector<1x16xf32>,
      %get3A_739 = arith.constant 0 : i32
      %get3A_740 = arith.index_cast %get3A_739 : i32 to index
      %get3A_741 = arith.constant 832 : index
      %get3A_742 = tpu.vector_load %arg4[%get3A_740, %get3A_741] {strides = array<i32>} : memref<1x1024xf32, #tpu.memory_space<vmem>>, vector<1x16xf32>,
      %get3A_743 = vector.shape_cast %get3A_742 : vector<1x16xf32> to vector<16xf32>
      %mul3A_744 = arith.constant 4.0029031E-6 : f32
      %mul3A_745 = vector.broadcast %mul3A_744 : f32 to vector<16xf32>
      %mul3A_746 = arith.mulf %get3A_743, %mul3A_745 : vector<16xf32>
      %swap3A_747 = arith.constant 0 : i32
      %swap3A_748 = arith.index_cast %swap3A_747 : i32 to index
      %swap3A_749 = arith.constant 832 : index
      %swap3A_750 = tpu.vector_load %arg4[%swap3A_748, %swap3A_749] {strides = array<i32>} : memref<1x1024xf32, #tpu.memory_space<vmem>>, vector<1x16xf32>,
      %swap3A_751 = vector.shape_cast %swap3A_750 : vector<1x16xf32> to vector<16xf32>
      %swap3A_752 = vector.shape_cast %mul3A_746 : vector<16xf32> to vector<1x16xf32>
      tpu.vector_store %arg4[%swap3A_748, %swap3A_749], %swap3A_752 {strides = array<i32>} : memref<1x1024xf32, #tpu.memory_space<vmem>>, vector<1x16xf32>,
      %get3A_753 = arith.constant 0 : i32
      %get3A_754 = arith.index_cast %get3A_753 : i32 to index
      %get3A_755 = arith.constant 848 : index
      %get3A_756 = tpu.vector_load %arg4[%get3A_754, %get3A_755] {strides = array<i32>} : memref<1x1024xf32, #tpu.memory_space<vmem>>, vector<1x16xf32>,
      %get3A_757 = vector.shape_cast %get3A_756 : vector<1x16xf32> to vector<16xf32>
      %mul3A_758 = arith.constant 4.0029031E-6 : f32
      %mul3A_759 = vector.broadcast %mul3A_758 : f32 to vector<16xf32>
      %mul3A_760 = arith.mulf %get3A_757, %mul3A_759 : vector<16xf32>
      %swap3A_761 = arith.constant 0 : i32
      %swap3A_762 = arith.index_cast %swap3A_761 : i32 to index
      %swap3A_763 = arith.constant 848 : index
      %swap3A_764 = tpu.vector_load %arg4[%swap3A_762, %swap3A_763] {strides = array<i32>} : memref<1x1024xf32, #tpu.memory_space<vmem>>, vector<1x16xf32>,
      %swap3A_765 = vector.shape_cast %swap3A_764 : vector<1x16xf32> to vector<16xf32>
      %swap3A_766 = vector.shape_cast %mul3A_760 : vector<16xf32> to vector<1x16xf32>
      tpu.vector_store %arg4[%swap3A_762, %swap3A_763], %swap3A_766 {strides = array<i32>} : memref<1x1024xf32, #tpu.memory_space<vmem>>, vector<1x16xf32>,
      %get3A_767 = arith.constant 0 : i32
      %get3A_768 = arith.index_cast %get3A_767 : i32 to index
      %get3A_769 = arith.constant 864 : index
      %get3A_770 = tpu.vector_load %arg4[%get3A_768, %get3A_769] {strides = array<i32>} : memref<1x1024xf32, #tpu.memory_space<vmem>>, vector<1x16xf32>,
      %get3A_771 = vector.shape_cast %get3A_770 : vector<1x16xf32> to vector<16xf32>
      %mul3A_772 = arith.constant 4.0029031E-6 : f32
      %mul3A_773 = vector.broadcast %mul3A_772 : f32 to vector<16xf32>
      %mul3A_774 = arith.mulf %get3A_771, %mul3A_773 : vector<16xf32>
      %swap3A_775 = arith.constant 0 : i32
      %swap3A_776 = arith.index_cast %swap3A_775 : i32 to index
      %swap3A_777 = arith.constant 864 : index
      %swap3A_778 = tpu.vector_load %arg4[%swap3A_776, %swap3A_777] {strides = array<i32>} : memref<1x1024xf32, #tpu.memory_space<vmem>>, vector<1x16xf32>,
      %swap3A_779 = vector.shape_cast %swap3A_778 : vector<1x16xf32> to vector<16xf32>
      %swap3A_780 = vector.shape_cast %mul3A_774 : vector<16xf32> to vector<1x16xf32>
      tpu.vector_store %arg4[%swap3A_776, %swap3A_777], %swap3A_780 {strides = array<i32>} : memref<1x1024xf32, #tpu.memory_space<vmem>>, vector<1x16xf32>,
      %get3A_781 = arith.constant 0 : i32
      %get3A_782 = arith.index_cast %get3A_781 : i32 to index
      %get3A_783 = arith.constant 880 : index
      %get3A_784 = tpu.vector_load %arg4[%get3A_782, %get3A_783] {strides = array<i32>} : memref<1x1024xf32, #tpu.memory_space<vmem>>, vector<1x16xf32>,
      %get3A_785 = vector.shape_cast %get3A_784 : vector<1x16xf32> to vector<16xf32>
      %mul3A_786 = arith.constant 4.0029031E-6 : f32
      %mul3A_787 = vector.broadcast %mul3A_786 : f32 to vector<16xf32>
      %mul3A_788 = arith.mulf %get3A_785, %mul3A_787 : vector<16xf32>
      %swap3A_789 = arith.constant 0 : i32
      %swap3A_790 = arith.index_cast %swap3A_789 : i32 to index
      %swap3A_791 = arith.constant 880 : index
      %swap3A_792 = tpu.vector_load %arg4[%swap3A_790, %swap3A_791] {strides = array<i32>} : memref<1x1024xf32, #tpu.memory_space<vmem>>, vector<1x16xf32>,
      %swap3A_793 = vector.shape_cast %swap3A_792 : vector<1x16xf32> to vector<16xf32>
      %swap3A_794 = vector.shape_cast %mul3A_788 : vector<16xf32> to vector<1x16xf32>
      tpu.vector_store %arg4[%swap3A_790, %swap3A_791], %swap3A_794 {strides = array<i32>} : memref<1x1024xf32, #tpu.memory_space<vmem>>, vector<1x16xf32>,
      %get3A_795 = arith.constant 0 : i32
      %get3A_796 = arith.index_cast %get3A_795 : i32 to index
      %get3A_797 = arith.constant 896 : index
      %get3A_798 = tpu.vector_load %arg4[%get3A_796, %get3A_797] {strides = array<i32>} : memref<1x1024xf32, #tpu.memory_space<vmem>>, vector<1x16xf32>,
      %get3A_799 = vector.shape_cast %get3A_798 : vector<1x16xf32> to vector<16xf32>
      %mul3A_800 = arith.constant 4.0029031E-6 : f32
      %mul3A_801 = vector.broadcast %mul3A_800 : f32 to vector<16xf32>
      %mul3A_802 = arith.mulf %get3A_799, %mul3A_801 : vector<16xf32>
      %swap3A_803 = arith.constant 0 : i32
      %swap3A_804 = arith.index_cast %swap3A_803 : i32 to index
      %swap3A_805 = arith.constant 896 : index
      %swap3A_806 = tpu.vector_load %arg4[%swap3A_804, %swap3A_805] {strides = array<i32>} : memref<1x1024xf32, #tpu.memory_space<vmem>>, vector<1x16xf32>,
      %swap3A_807 = vector.shape_cast %swap3A_806 : vector<1x16xf32> to vector<16xf32>
      %swap3A_808 = vector.shape_cast %mul3A_802 : vector<16xf32> to vector<1x16xf32>
      tpu.vector_store %arg4[%swap3A_804, %swap3A_805], %swap3A_808 {strides = array<i32>} : memref<1x1024xf32, #tpu.memory_space<vmem>>, vector<1x16xf32>,
      %get3A_809 = arith.constant 0 : i32
      %get3A_810 = arith.index_cast %get3A_809 : i32 to index
      %get3A_811 = arith.constant 912 : index
      %get3A_812 = tpu.vector_load %arg4[%get3A_810, %get3A_811] {strides = array<i32>} : memref<1x1024xf32, #tpu.memory_space<vmem>>, vector<1x16xf32>,
      %get3A_813 = vector.shape_cast %get3A_812 : vector<1x16xf32> to vector<16xf32>
      %mul3A_814 = arith.constant 4.0029031E-6 : f32
      %mul3A_815 = vector.broadcast %mul3A_814 : f32 to vector<16xf32>
      %mul3A_816 = arith.mulf %get3A_813, %mul3A_815 : vector<16xf32>
      %swap3A_817 = arith.constant 0 : i32
      %swap3A_818 = arith.index_cast %swap3A_817 : i32 to index
      %swap3A_819 = arith.constant 912 : index
      %swap3A_820 = tpu.vector_load %arg4[%swap3A_818, %swap3A_819] {strides = array<i32>} : memref<1x1024xf32, #tpu.memory_space<vmem>>, vector<1x16xf32>,
      %swap3A_821 = vector.shape_cast %swap3A_820 : vector<1x16xf32> to vector<16xf32>
      %swap3A_822 = vector.shape_cast %mul3A_816 : vector<16xf32> to vector<1x16xf32>
      tpu.vector_store %arg4[%swap3A_818, %swap3A_819], %swap3A_822 {strides = array<i32>} : memref<1x1024xf32, #tpu.memory_space<vmem>>, vector<1x16xf32>,
      %get3A_823 = arith.constant 0 : i32
      %get3A_824 = arith.index_cast %get3A_823 : i32 to index
      %get3A_825 = arith.constant 928 : index
      %get3A_826 = tpu.vector_load %arg4[%get3A_824, %get3A_825] {strides = array<i32>} : memref<1x1024xf32, #tpu.memory_space<vmem>>, vector<1x16xf32>,
      %get3A_827 = vector.shape_cast %get3A_826 : vector<1x16xf32> to vector<16xf32>
      %mul3A_828 = arith.constant 4.0029031E-6 : f32
      %mul3A_829 = vector.broadcast %mul3A_828 : f32 to vector<16xf32>
      %mul3A_830 = arith.mulf %get3A_827, %mul3A_829 : vector<16xf32>
      %swap3A_831 = arith.constant 0 : i32
      %swap3A_832 = arith.index_cast %swap3A_831 : i32 to index
      %swap3A_833 = arith.constant 928 : index
      %swap3A_834 = tpu.vector_load %arg4[%swap3A_832, %swap3A_833] {strides = array<i32>} : memref<1x1024xf32, #tpu.memory_space<vmem>>, vector<1x16xf32>,
      %swap3A_835 = vector.shape_cast %swap3A_834 : vector<1x16xf32> to vector<16xf32>
      %swap3A_836 = vector.shape_cast %mul3A_830 : vector<16xf32> to vector<1x16xf32>
      tpu.vector_store %arg4[%swap3A_832, %swap3A_833], %swap3A_836 {strides = array<i32>} : memref<1x1024xf32, #tpu.memory_space<vmem>>, vector<1x16xf32>,
      %get3A_837 = arith.constant 0 : i32
      %get3A_838 = arith.index_cast %get3A_837 : i32 to index
      %get3A_839 = arith.constant 944 : index
      %get3A_840 = tpu.vector_load %arg4[%get3A_838, %get3A_839] {strides = array<i32>} : memref<1x1024xf32, #tpu.memory_space<vmem>>, vector<1x16xf32>,
      %get3A_841 = vector.shape_cast %get3A_840 : vector<1x16xf32> to vector<16xf32>
      %mul3A_842 = arith.constant 4.0029031E-6 : f32
      %mul3A_843 = vector.broadcast %mul3A_842 : f32 to vector<16xf32>
      %mul3A_844 = arith.mulf %get3A_841, %mul3A_843 : vector<16xf32>
      %swap3A_845 = arith.constant 0 : i32
      %swap3A_846 = arith.index_cast %swap3A_845 : i32 to index
      %swap3A_847 = arith.constant 944 : index
      %swap3A_848 = tpu.vector_load %arg4[%swap3A_846, %swap3A_847] {strides = array<i32>} : memref<1x1024xf32, #tpu.memory_space<vmem>>, vector<1x16xf32>,
      %swap3A_849 = vector.shape_cast %swap3A_848 : vector<1x16xf32> to vector<16xf32>
      %swap3A_850 = vector.shape_cast %mul3A_844 : vector<16xf32> to vector<1x16xf32>
      tpu.vector_store %arg4[%swap3A_846, %swap3A_847], %swap3A_850 {strides = array<i32>} : memref<1x1024xf32, #tpu.memory_space<vmem>>, vector<1x16xf32>,
      %get3A_851 = arith.constant 0 : i32
      %get3A_852 = arith.index_cast %get3A_851 : i32 to index
      %get3A_853 = arith.constant 960 : index
      %get3A_854 = tpu.vector_load %arg4[%get3A_852, %get3A_853] {strides = array<i32>} : memref<1x1024xf32, #tpu.memory_space<vmem>>, vector<1x16xf32>,
      %get3A_855 = vector.shape_cast %get3A_854 : vector<1x16xf32> to vector<16xf32>
      %mul3A_856 = arith.constant 4.0029031E-6 : f32
      %mul3A_857 = vector.broadcast %mul3A_856 : f32 to vector<16xf32>
      %mul3A_858 = arith.mulf %get3A_855, %mul3A_857 : vector<16xf32>
      %swap3A_859 = arith.constant 0 : i32
      %swap3A_860 = arith.index_cast %swap3A_859 : i32 to index
      %swap3A_861 = arith.constant 960 : index
      %swap3A_862 = tpu.vector_load %arg4[%swap3A_860, %swap3A_861] {strides = array<i32>} : memref<1x1024xf32, #tpu.memory_space<vmem>>, vector<1x16xf32>,
      %swap3A_863 = vector.shape_cast %swap3A_862 : vector<1x16xf32> to vector<16xf32>
      %swap3A_864 = vector.shape_cast %mul3A_858 : vector<16xf32> to vector<1x16xf32>
      tpu.vector_store %arg4[%swap3A_860, %swap3A_861], %swap3A_864 {strides = array<i32>} : memref<1x1024xf32, #tpu.memory_space<vmem>>, vector<1x16xf32>,
      %get3A_865 = arith.constant 0 : i32
      %get3A_866 = arith.index_cast %get3A_865 : i32 to index
      %get3A_867 = arith.constant 976 : index
      %get3A_868 = tpu.vector_load %arg4[%get3A_866, %get3A_867] {strides = array<i32>} : memref<1x1024xf32, #tpu.memory_space<vmem>>, vector<1x16xf32>,
      %get3A_869 = vector.shape_cast %get3A_868 : vector<1x16xf32> to vector<16xf32>
      %mul3A_870 = arith.constant 4.0029031E-6 : f32
      %mul3A_871 = vector.broadcast %mul3A_870 : f32 to vector<16xf32>
      %mul3A_872 = arith.mulf %get3A_869, %mul3A_871 : vector<16xf32>
      %swap3A_873 = arith.constant 0 : i32
      %swap3A_874 = arith.index_cast %swap3A_873 : i32 to index
      %swap3A_875 = arith.constant 976 : index
      %swap3A_876 = tpu.vector_load %arg4[%swap3A_874, %swap3A_875] {strides = array<i32>} : memref<1x1024xf32, #tpu.memory_space<vmem>>, vector<1x16xf32>,
      %swap3A_877 = vector.shape_cast %swap3A_876 : vector<1x16xf32> to vector<16xf32>
      %swap3A_878 = vector.shape_cast %mul3A_872 : vector<16xf32> to vector<1x16xf32>
      tpu.vector_store %arg4[%swap3A_874, %swap3A_875], %swap3A_878 {strides = array<i32>} : memref<1x1024xf32, #tpu.memory_space<vmem>>, vector<1x16xf32>,
      %get3A_879 = arith.constant 0 : i32
      %get3A_880 = arith.index_cast %get3A_879 : i32 to index
      %get3A_881 = arith.constant 992 : index
      %get3A_882 = tpu.vector_load %arg4[%get3A_880, %get3A_881] {strides = array<i32>} : memref<1x1024xf32, #tpu.memory_space<vmem>>, vector<1x16xf32>,
      %get3A_883 = vector.shape_cast %get3A_882 : vector<1x16xf32> to vector<16xf32>
      %mul3A_884 = arith.constant 4.0029031E-6 : f32
      %mul3A_885 = vector.broadcast %mul3A_884 : f32 to vector<16xf32>
      %mul3A_886 = arith.mulf %get3A_883, %mul3A_885 : vector<16xf32>
      %swap3A_887 = arith.constant 0 : i32
      %swap3A_888 = arith.index_cast %swap3A_887 : i32 to index
      %swap3A_889 = arith.constant 992 : index
      %swap3A_890 = tpu.vector_load %arg4[%swap3A_888, %swap3A_889] {strides = array<i32>} : memref<1x1024xf32, #tpu.memory_space<vmem>>, vector<1x16xf32>,
      %swap3A_891 = vector.shape_cast %swap3A_890 : vector<1x16xf32> to vector<16xf32>
      %swap3A_892 = vector.shape_cast %mul3A_886 : vector<16xf32> to vector<1x16xf32>
      tpu.vector_store %arg4[%swap3A_888, %swap3A_889], %swap3A_892 {strides = array<i32>} : memref<1x1024xf32, #tpu.memory_space<vmem>>, vector<1x16xf32>,
      %get3A_893 = arith.constant 0 : i32
      %get3A_894 = arith.index_cast %get3A_893 : i32 to index
      %get3A_895 = arith.constant 1008 : index
      %get3A_896 = tpu.vector_load %arg4[%get3A_894, %get3A_895] {strides = array<i32>} : memref<1x1024xf32, #tpu.memory_space<vmem>>, vector<1x16xf32>,
      %get3A_897 = vector.shape_cast %get3A_896 : vector<1x16xf32> to vector<16xf32>
      %mul3A_898 = arith.constant 4.0029031E-6 : f32
      %mul3A_899 = vector.broadcast %mul3A_898 : f32 to vector<16xf32>
      %mul3A_900 = arith.mulf %get3A_897, %mul3A_899 : vector<16xf32>
      %swap3A_901 = arith.constant 0 : i32
      %swap3A_902 = arith.index_cast %swap3A_901 : i32 to index
      %swap3A_903 = arith.constant 1008 : index
      %swap3A_904 = tpu.vector_load %arg4[%swap3A_902, %swap3A_903] {strides = array<i32>} : memref<1x1024xf32, #tpu.memory_space<vmem>>, vector<1x16xf32>,
      %swap3A_905 = vector.shape_cast %swap3A_904 : vector<1x16xf32> to vector<16xf32>
      %swap3A_906 = vector.shape_cast %mul3A_900 : vector<16xf32> to vector<1x16xf32>
      tpu.vector_store %arg4[%swap3A_902, %swap3A_903], %swap3A_906 {strides = array<i32>} : memref<1x1024xf32, #tpu.memory_space<vmem>>, vector<1x16xf32>,
      tpu.enqueue_dma source(%arg4 : memref<1x1024xf32, #tpu.memory_space<vmem>>) target(%arg3 : memref<1x1024xf32, #tpu.memory_space<hbm>>) target_semaphore(%arg6 : memref<!tpu.dma_semaphore, #tpu.memory_space<semaphore_mem>>)
      tpu.wait_dma2 semaphore(%arg6 : memref<!tpu.dma_semaphore, #tpu.memory_space<semaphore_mem>>) src(%arg4 : memref<1x1024xf32, #tpu.memory_space<vmem>>) dst(%arg3 : memref<1x1024xf32, #tpu.memory_space<hbm>>)
    } else {
    }
    return
  }
}

module attributes {stable_mosaic.version = 14 : i64} {
  func.func @body(%arg0: i32, %arg1: memref<2048x1024xf32, #tpu.memory_space<vmem>>, %arg2: memref<1x1024xf32, #tpu.memory_space<vmem>>, %arg3: memref<2048x1024xf32, #tpu.memory_space<vmem>>) attributes {dimension_semantics = [#tpu.dimension_semantics<arbitrary>], iteration_bounds = array<i64: 8>, scalar_prefetch = 0 : i64, scratch_operands = 0 : i64, tpu.core_type = #tpu.core_type<tc>, window_params = [{transform_indices = @transform_0, window_bounds = array<i64: 2048, 1024>}, {pipeline_mode = #tpu.pipeline_mode<synchronous>, transform_indices = @transform_1, window_bounds = array<i64: 1, 1024>}, {transform_indices = @transform_2, window_bounds = array<i64: 2048, 1024>}]} {
    %get3A = arith.constant 0 : index
    %get3A_0 = arith.constant 0 : index
    %get3A_1 = vector.load %arg1[%get3A, %get3A_0] : memref<2048x1024xf32, #tpu.memory_space<vmem>>, vector<2048x1024xf32>
    %swap3A = arith.constant 0 : index
    %swap3A_2 = arith.constant 0 : index
    %swap3A_3 = vector.load %arg3[%swap3A, %swap3A_2] : memref<2048x1024xf32, #tpu.memory_space<vmem>>, vector<2048x1024xf32>
    tpu.vector_store %arg3[%swap3A, %swap3A_2], %get3A_1 {strides = array<i32>} : memref<2048x1024xf32, #tpu.memory_space<vmem>>, vector<2048x1024xf32>,
    %eq3A = arith.constant 6 : i32
    %eq3A_4 = arith.cmpi eq, %arg0, %eq3A : i32
    %convert_element_type3A = arith.extui %eq3A_4 : i1 to i32
    %cond3A = arith.constant 0 : i32
    %cond3A_5 = arith.cmpi ne, %convert_element_type3A, %cond3A : i32
    scf.if %cond3A_5 {
      %get3A_6 = arith.constant 0 : index
      %get3A_7 = arith.constant 0 : index
      %get3A_8 = vector.load %arg2[%get3A_6, %get3A_7] : memref<1x1024xf32, #tpu.memory_space<vmem>>, vector<1x1024xf32>
      %get3A_9 = vector.shape_cast %get3A_8 : vector<1x1024xf32> to vector<1024xf32>
      %swap3A_10 = arith.constant 1648 : index
      %swap3A_11 = arith.constant 0 : index
      %swap3A_12 = vector.load %arg3[%swap3A_10, %swap3A_11] : memref<2048x1024xf32, #tpu.memory_space<vmem>>, vector<1x1024xf32>
      %swap3A_13 = vector.shape_cast %swap3A_12 : vector<1x1024xf32> to vector<1024xf32>
      %swap3A_14 = vector.shape_cast %get3A_9 : vector<1024xf32> to vector<1x1024xf32>
      tpu.vector_store %arg3[%swap3A_10, %swap3A_11], %swap3A_14 {strides = array<i32>} : memref<2048x1024xf32, #tpu.memory_space<vmem>>, vector<1x1024xf32>,
    } else {
    }
    return
  }
  func.func @transform_0(%arg0: i32) -> (i32, i32) {
    %c0_i32 = arith.constant 0 : i32
    %c0_i32_0 = arith.constant 0 : i32
    return %arg0, %c0_i32 : i32, i32
  }
  func.func @transform_1(%arg0: i32) -> (i32, i32) {
    %c0_i32 = arith.constant 0 : i32
    %c0_i32_0 = arith.constant 0 : i32
    %c0_i32_1 = arith.constant 0 : i32
    return %c0_i32, %c0_i32_0 : i32, i32
  }
  func.func @transform_2(%arg0: i32) -> (i32, i32) {
    %c0_i32 = arith.constant 0 : i32
    %c0_i32_0 = arith.constant 0 : i32
    return %arg0, %c0_i32 : i32, i32
  }
}

</mosaic_0001>

<sc_bundles>
// kernel: kernel.4.cloned.1.call-start
scs
__scs_entry_jumppad:
0x0: {  	(pc) =	sbr.rel $0x88, $3  }
0x1: {  	(tag) =	ssettag $0x0;
	lr =	simm.s32 $0x1  }
0x2: {  	[smem:$0x3FA0] =	sst lr;
	_ =	strace $0xD0000000  }
0x3: {  	_ = 	snop  }
0x4: {  	_ = 	snop  }
0x5: {  	_ = 	snop  }
0x6: {  	_ = 	snop  }
0x7: {  	_ = 	snop  }
__scs_overlays_trampoline_lowered:
0x8: {  	[smem:$0x3FAF] =	sst s0  }
0x9: {  	[smem:$0x3FB0] =	sst s1  }
0xa: {  	[smem:$0x3FB1] =	sst s2  }
0xb: {  	[smem:$0x3FB2] =	sst s3  }
0xc: {  	[smem:$0x3FB3] =	sst s4  }
0xd: {  	[smem:$0x3FB4] =	sst s5  }
0xe: {  	[smem:$0x3FB5] =	sst s6  }
0xf: {  	[smem:$0x3FB6] =	sst s7  }
0x10: {  	[smem:$0x3FB7] =	sst s8  }
0x11: {  	[smem:$0x3FB8] =	sst s9;
	s0 =	simm.s32 @!p0 $0x0  }
0x12: {  	s1 =	sld [smem:$0x3F9E];
	s0 =	simm.s32 @p0 $0x1  }
0x13: {  	[smem:$0x3FB9] =	sst s0;
	s0 =	simm.s32 @!p1 $0x0  }
0x14: {  	s2 =	sld [smem:$0x3F9D];
	s0 =	simm.s32 @p1 $0x1  }
0x15: {  	[smem:$0x3FBA] =	sst s0;
	s0 =	simm.s32 @!p2 $0x0  }
0x16: {  	s3 =	sld [smem:$0x3FDB];
	s0 =	simm.s32 @p2 $0x1  }
0x17: {  	s4 =	simm.s32 $0x1BF5;
	[smem:$0x3FBC] =	sst s0  }
0x18: {  	s0 =	sld [smem:$0x3F9F];
	_ =	swait.ge [sflag:s4], $0x0  }
0x19: {  	s7 =	sld [smem:$0x3FA0]  }
0x1a: {  	s8 =	sadd.s32 $0xFFFFE003, lr  }
0x1b: {  	s9 =	sadd.s32 $0xFFFFFEF7, lr;
	s5 =	simm.s32 $0xFFFFFFFF;
	p2 =	slt.u32 s8, $0xFFFFF086  }
0x1c: {  	p1 =	slt.u32 s9, $0xF7A;
	s5 =	simm.s32 @!p2 $0x0  }
0x1d: {  	s5 =	simm.s32 @p1 $0x1;
	p0 =	seq.s32 s7, s2  }
0x1e: {  	s7 =	smul.u32 @!p0 $0xF7A, s2;
	p2 =	seq.s32 @!p0 s5, $0x0  }
0x1f: {  	s9 =	smul.u32 $0xF7A, s1;
	s8 =	simm.s32 @!p0 $0x1BF5;
	p2 =	por !p2, p0  }
0x20: {  	[sflag:s8] =	ssyncset.s32 @!p0 $0xFFFFF086;
	s6 =	sadd.s32 @!p0 s3, s7;
	s7 =	simm.s32 @!p0 $0x108  }
0x21: {  	s3 =	sadd.s32 s3, s9;
	s6 =	sadd.s32 @!p0 $0x88, s6;
	s7 =	simm.s32 @p2 $0x1082  }
0x22: {  	[simem:s7], [sflag:s8] =	dma.local @!p0 [hbm:s6], $0xF7A  }
0x23: {  	s9 =	sor.u32 $0xD0000000, s2;
	s6 =	simm.s32 $0x108;
	_ =	swait.ge @!p0 [sflag:s8], $0x0  }
0x24: {  	s3 =	sadd.s32 $0x88, s3;
	s6 =	simm.s32 @!p1 $0x1082;
	[sflag:s4] =	ssyncset.s32 $0xFFFFF086  }
0x25: {  	[simem:s6], [sflag:s4] =	dma.local [hbm:s3], $0xF7A  }
0x26: {  	[smem:$0x3FA0] =	sst s1;
	(tag) =	ssettag s2;
	_ =	strace s9  }
0x27: {  	s1 =	sld [smem:$0x3FB0]  }
0x28: {  	s2 =	sld [smem:$0x3FB1]  }
0x29: {  	s4 =	sld [smem:$0x3FB3]  }
0x2a: {  	p0 =	seq.s32 s5, $0x0;
	s5 =	sld [smem:$0x3FB4]  }
0x2b: {  	s6 =	sld [smem:$0x3FB5]  }
0x2c: {  	s7 =	sld [smem:$0x3FB6]  }
0x2d: {  	s3 =	simm.s32 $0x108;
	s8 =	sld [smem:$0x3FB7]  }
0x2e: {  	s3 =	simm.s32 @!p0 $0x1082;
	s9 =	sld [smem:$0x3FB8]  }
0x2f: {  	lr =	sadd.s32 s0, s3;
	s0 =	sld [smem:$0x3FAF]  }
0x30: {  	s3 =	sld [smem:$0x3FB2]  }
0x31: {  	[smem:$0x3FBB] =	sst s10  }
0x32: {  	s10 =	sld [smem:$0x3FB9];
	_ =	sdelay $0x3  }
0x33: {  	p0 =	seq.s32 s10, $0x1;
	s10 =	sld [smem:$0x3FBB];
	_ =	sdelay $0x3  }
0x34: {  	[smem:$0x3FBB] =	sst s10  }
0x35: {  	s10 =	sld [smem:$0x3FBA];
	_ =	sdelay $0x3  }
0x36: {  	p1 =	seq.s32 s10, $0x1;
	s10 =	sld [smem:$0x3FBB];
	_ =	sdelay $0x3  }
0x37: {  	[smem:$0x3FBB] =	sst s10  }
0x38: {  	s10 =	sld [smem:$0x3FBC]  }
0x39: {  	_ = 	snop;
	(pc) =	sbr.ind lr, $3  }
0x3a: {  	_ = 	snop  }
0x3b: {  	_ = 	snop  }
0x3c: {  	p2 =	seq.s32 s10, $0x1;
	s10 =	sld [smem:$0x3FBB]  }
0x3d: {  	_ =	shalt  }
0x3e: {  	_ =	shalt  }
0x3f: {  	_ =	shalt  }
0x40: {  	_ =	shalt  }
0x41: {  	_ =	shalt  }
0x42: {  	_ =	shalt  }
0x43: {  	_ =	shalt  }
0x44: {  	_ =	shalt  }
0x45: {  	_ =	shalt  }
0x46: {  	_ =	shalt  }
0x47: {  	_ =	shalt  }
0x48: {  	_ =	shalt  }
0x49: {  	_ =	shalt  }
0x4a: {  	_ =	shalt  }
0x4b: {  	_ =	shalt  }
0x4c: {  	_ =	shalt  }
0x4d: {  	_ =	shalt  }
0x4e: {  	_ =	shalt  }
0x4f: {  	_ =	shalt  }
0x50: {  	_ =	shalt  }
0x51: {  	_ =	shalt  }
0x52: {  	_ =	shalt  }
0x53: {  	_ =	shalt  }
0x54: {  	_ =	shalt  }
0x55: {  	_ =	shalt  }
0x56: {  	_ =	shalt  }
0x57: {  	_ =	shalt  }
0x58: {  	_ =	shalt  }
0x59: {  	_ =	shalt  }
0x5a: {  	_ =	shalt  }
0x5b: {  	_ =	shalt  }
0x5c: {  	_ =	shalt  }
0x5d: {  	_ =	shalt  }
0x5e: {  	_ =	shalt  }
0x5f: {  	_ =	shalt  }
0x60: {  	_ =	shalt  }
0x61: {  	_ =	shalt  }
0x62: {  	_ =	shalt  }
0x63: {  	_ =	shalt  }
0x64: {  	_ =	shalt  }
0x65: {  	_ =	shalt  }
0x66: {  	_ =	shalt  }
0x67: {  	_ =	shalt  }
0x68: {  	_ =	shalt  }
0x69: {  	_ =	shalt  }
0x6a: {  	_ =	shalt  }
0x6b: {  	_ =	shalt  }
0x6c: {  	_ =	shalt  }
0x6d: {  	_ =	shalt  }
0x6e: {  	_ =	shalt  }
0x6f: {  	_ =	shalt  }
0x70: {  	_ =	shalt  }
0x71: {  	_ =	shalt  }
0x72: {  	_ =	shalt  }
0x73: {  	_ =	shalt  }
0x74: {  	_ =	shalt  }
0x75: {  	_ =	shalt  }
0x76: {  	_ =	shalt  }
0x77: {  	_ =	shalt  }
0x78: {  	_ =	shalt  }
0x79: {  	_ =	shalt  }
0x7a: {  	_ =	shalt  }
0x7b: {  	_ =	shalt  }
0x7c: {  	_ =	shalt  }
0x7d: {  	_ =	shalt  }
0x7e: {  	_ =	shalt  }
0x7f: {  	_ =	shalt  }
0x80: {  	_ =	shalt  }
0x81: {  	_ =	shalt  }
0x82: {  	_ =	shalt  }
0x83: {  	_ =	shalt  }
0x84: {  	_ =	shalt  }
0x85: {  	_ =	shalt  }
0x86: {  	_ =	shalt  }
0x87: {  	_ =	shalt  }
.Lfunc_end0:
.L_simem_size_0:
called_computation_lowered:
.L_overlay_start_0:
0x88: {  	s2 =	sld [smem:$0x3FD9]  }
0x89: {  	s3 =	sld [smem:$0x3FFE];
	_ =	sdelay $0x1  }
0x8a: {  	s1 =	srdreg.scid  }
0x8b: {  	s0 =	sand.u32 $0x1, s1  }
0x8c: {  	s18 =	sshll.u32 s0, $0xA;
	s2 =	sadd.s32 s3, s2  }
0x8d: {  	s2 =	sadd.s32 s2, s18  }
0x8e: {  	[smem:$0x3FC7] =	sst s2  }
0x8f: {  	_ = 	snop  }
0x90: {  	s2 =	sld [smem:$0x3FC9]  }
0x91: {  	s19 =	sld [smem:$0x3FD0];
	(tm) =	ssettm $0x1  }
0x92: {  	s4 =	sld [smem:$0x3FFB];
	_ =	sdelay $0x3  }
0x93: {  	_ =	strace s4  }
0x94: {  	s4 =	sld [smem:$0x3FFC];
	_ =	sdelay $0x3  }
0x95: {  	_ =	strace s4  }
0x96: {  	s4 =	sld [smem:$0x3FFD];
	_ =	sdelay $0x3  }
0x97: {  	_ =	strace s4  }
0x98: {  	_ =	strace $0x8FFFFFFF  }
0x99: {  	s20 =	sld [smem:$0x3FDB];
	_ =	sdelay $0x1  }
0x9a: {  	s5 =	simm.s32 $_scs_section_size  }
0x9b: {  	s6 =	simm.s32 $_size__tile_overlayer_lowered;
	s7 =	simm.s32 $_tile_overlayer_lowered  }
0x9c: {  	s23 =	simm.s32 $0x1BFF;
	s22 =	sshll.u32 s7, $0x1;
	s4 =	sadd.s32 s5, s20  }
0x9d: {  	s8 =	simm.s32 $0x0;
	s21 =	sshll.u32 s6, $0x1;
	s6 =	sadd.s32 s22, s4  }
0x9e: {  	[timem:s8], [sflag:s23] =	dma.local [hbm:s6], s21  }
0x9f: {  	_ =	swait.ge [sflag:s23], s21  }
0xa0: {  	s5 =	ssub.s32 $0x0, s21;
	[sflag:s23] =	ssyncset.done $0x0  }
0xa1: {  	[sflag:s23] =	ssyncadd.s32 s5;
	_ =	sdelay $0x1  }
0xa2: {  	s24 =	simm.s32 $0x1B8B  }
0xa3: {  	_ =	swait.ge [sflag:s24], $0x1  }
0xa4: {  	[sflag:s24] =	ssyncset.done $0x0  }
0xa5: {  	s25 =	simm.s32 $0x1B8E;
	[sflag:s24] =	ssyncadd.s32 $0xFFFFFFFF  }
0xa6: {  	s26 =	simm.s32 $execute0_lowered;
	[smem:$0x3FD2] =	sst s25  }
0xa7: {  	s5 =	sshll.u32 s26, $0x1;
	_ =	strace $0x80000046;
	[dreg:$0x1] =	wrdreg $0xFFFFFFFF  }
0xa8: {  	s28 =	simm.s32 $_size_execute0_lowered;
	s4 =	sadd.s32 s4, s5;
	[dreg:$0x0] =	wrdreg $0x0  }
0xa9: {  	s5 =	sshll.u32 s28, $0x1;
	[dreg:$0x2] =	wrdreg s4  }
0xaa: {  	[dreg:$0x3] =	wrdreg s5  }
0xab: {  	[dreg:$0x4] =	wrdreg $0xC0  }
0xac: {  	_ =	task [dreg:s8], $0x5FFFF  }
0xad: {  	[dreg:$0x1] =	wrdreg $0xFFFFFFFF  }
0xae: {  	[dreg:$0x0] =	wrdreg $0x60  }
0xaf: {  	[dreg:$0x2] =	wrdreg s2  }
0xb0: {  	[dreg:$0x3] =	wrdreg s19  }
0xb1: {  	[dreg:$0x4] =	wrdreg $0x9  }
0xb2: {  	_ =	task.clear_ibuf [dreg:s8], $0x5FFFF;
	_ =	strace $0x90000046  }
0xb3: {  	s29 =	simm.s32 $0x9;
	_ =	strace $0x80000048  }
0xb4: {  	_ =	swait.ge [sflag:s29], $0x1  }
0xb5: {  	[sflag:s29] =	ssyncadd.s32 $0xFFFFFFFF  }
0xb6: {  	_ =	strace $0x90000048  }
0xb7: {  	_ =	sfence  }
0xb8: {  	s30 =	sld [smem:$0x0];
	_ =	sdelay $0x2  }
0xb9: {  	s31 =	sshll.u32 s1, $0xD;
	s1 =	sshrl.u32 s1, $0x2  }
0xba: {  	s3 =	sand.u32 $0x4000, s31;
	s1 =	sadd.s32 s1, s30  }
0xbb: {  	s0 =	sor.u32 s3, s0;
	s1 =	sshll.u32 s1, $0x11  }
0xbc: {  	s0 =	sor.u32 s1, s0  }
0xbd: {  	s0 =	sadd.s32 $0x8F2B, s0  }
0xbe: {  	[sflag:s0] =	ssyncadd.remote.s32 $0x1  }
0xbf: {  	_ =	sfence.sel $0xFFFF  }
0xc0: {  	[dreg:$0x0] =	wrdreg $0xFFFFFFFF;
	(pc) =	sbr.abs _section_cstart, $3  }
0xc1: {  	[dreg:$0x1] =	wrdreg $0xFFFFFFFF  }
0xc2: {  	_ =	task.clear_ibuf [dreg:s8], $0x2FFFF;
	_ =	strace $0x9FFFFFFF  }
0xc3: {  	(tm) =	ssettm $0x7FFFFFFF  }
tec
execute0_lowered:
.L_overlay_start_1:
0x0: {  	(tag) =	ssettag $0x1  }
0x1: {  	s1 =	srdreg.scid  }
0x2: {  	s5 =	sand.u32 $0x1, s1;
	s1 =	stileid.u32  }
0x3: {  	s6 =	sshll.u32 s1, $0x1;
	s7 =	ssub.s32 $0x0, s5  }
0x4: {  	p0 =	sne.s32 s6, s7  }
.Ltmp0:
0x5: {  	_ = 	snop;
	(pc) =	sbr.rel @p0 .LBB2_3-.Ltmp0, $4  }
0x6: {  	s4 =	rddreg [dreg:$0x0]  }
0x7: {  	s2 =	rddreg [dreg:$0x1];
	s3 =	simm.s32 $0x0  }
0x8: {  	[smem:$0x7FF] =	sst s3  }
0x9: {  	s0 =	rddreg [dreg:$0x2];
	_ =	strace $0x80000047  }
0xa: {  	s5 =	ssub.s32 $0x2, s5  }
0xb: {  	s4 =	sadd.s32 $0x1B3800, s4;
	s6 =	sshrl.u32 s5, $0x1  }
0xc: {  	s7 =	simm.s32 $0x400;
	s8 =	simm.s32 $0x1;
	s5 =	ssub.s32 s5, s6  }
0xd: {  	s9 =	simm.s32 $0x2;
	s6 =	simm.s32 $0x80;
	s5 =	smax.u32 s5, $0x1  }
.LBB2_2:
0xe: {  	[tilespmem:s3], [sflag:$0x1] =	stream.strided.gather [hbm4b:s4+s6], $0x400, s7, s6, $0x38;
	[tilespmem:$0x400] =	vst v63  }
0xf: {  	_ =	swait.ge [sflag:s8], $0x400  }
0x10: {  	[sflag:s8] =	ssyncset.done $0x0  }
0x11: {  	[sflag:s8] =	ssyncadd.s32 $0xFFFFFC00  }
0x12: {  	v0 =	vld [tilespmem:$0x0]  }
0x13: {  	v1 =	vld [tilespmem:$0x10]  }
0x14: {  	v2 =	vld [tilespmem:$0x20]  }
0x15: {  	v3 =	vld [tilespmem:$0x30]  }
0x16: {  	v4 =	vld [tilespmem:$0x40]  }
0x17: {  	v5 =	vld [tilespmem:$0x50];
	v0 =	vmul.f32 $4.002903100e-06, v0  }
0x18: {  	v6 =	vld [tilespmem:$0x60];
	v1 =	vmul.f32 $4.002903100e-06, v1  }
0x19: {  	v56 =	vld [tilespmem:$0x70];
	v55 =	vmul.f32 $4.002903100e-06, v2;
	[tilespmem:$0x0] =	vst v0  }
0x1a: {  	v58 =	vld [tilespmem:$0x80];
	v57 =	vmul.f32 $4.002903100e-06, v3;
	[tilespmem:$0x10] =	vst v1  }
0x1b: {  	v60 =	vld [tilespmem:$0x90];
	v59 =	vmul.f32 $4.002903100e-06, v4;
	[tilespmem:$0x20] =	vst v55  }
0x1c: {  	v62 =	vld [tilespmem:$0xA0];
	v61 =	vmul.f32 $4.002903100e-06, v5;
	[tilespmem:$0x30] =	vst v57  }
0x1d: {  	v9 =	vld [tilespmem:$0xB0];
	v63 =	vmul.f32 $4.002903100e-06, v6;
	[tilespmem:$0x40] =	vst v59  }
0x1e: {  	v11 =	vld [tilespmem:$0xC0];
	v10 =	vmul.f32 $4.002903100e-06, v56;
	[tilespmem:$0x50] =	vst v61  }
0x1f: {  	v13 =	vld [tilespmem:$0xD0];
	v12 =	vmul.f32 $4.002903100e-06, v58;
	[tilespmem:$0x60] =	vst v63  }
0x20: {  	v15 =	vld [tilespmem:$0xE0];
	v14 =	vmul.f32 $4.002903100e-06, v60;
	[tilespmem:$0x70] =	vst v10  }
0x21: {  	v17 =	vld [tilespmem:$0xF0];
	v16 =	vmul.f32 $4.002903100e-06, v62;
	[tilespmem:$0x80] =	vst v12  }
0x22: {  	v19 =	vld [tilespmem:$0x100];
	v18 =	vmul.f32 $4.002903100e-06, v9;
	[tilespmem:$0x90] =	vst v14  }
0x23: {  	v21 =	vld [tilespmem:$0x110];
	v20 =	vmul.f32 $4.002903100e-06, v11;
	[tilespmem:$0xA0] =	vst v16  }
0x24: {  	v23 =	vld [tilespmem:$0x120];
	v22 =	vmul.f32 $4.002903100e-06, v13;
	[tilespmem:$0xB0] =	vst v18  }
0x25: {  	v25 =	vld [tilespmem:$0x130];
	v24 =	vmul.f32 $4.002903100e-06, v15;
	[tilespmem:$0xC0] =	vst v20  }
0x26: {  	v27 =	vld [tilespmem:$0x140];
	v26 =	vmul.f32 $4.002903100e-06, v17;
	[tilespmem:$0xD0] =	vst v22  }
0x27: {  	v29 =	vld [tilespmem:$0x150];
	v28 =	vmul.f32 $4.002903100e-06, v19;
	[tilespmem:$0xE0] =	vst v24  }
0x28: {  	v31 =	vld [tilespmem:$0x160];
	v30 =	vmul.f32 $4.002903100e-06, v21;
	[tilespmem:$0xF0] =	vst v26  }
0x29: {  	v33 =	vld [tilespmem:$0x170];
	v32 =	vmul.f32 $4.002903100e-06, v23;
	[tilespmem:$0x100] =	vst v28  }
0x2a: {  	v35 =	vld [tilespmem:$0x180];
	v34 =	vmul.f32 $4.002903100e-06, v25;
	[tilespmem:$0x110] =	vst v30  }
0x2b: {  	v37 =	vld [tilespmem:$0x190];
	v36 =	vmul.f32 $4.002903100e-06, v27;
	[tilespmem:$0x120] =	vst v32  }
0x2c: {  	v39 =	vld [tilespmem:$0x1A0];
	v38 =	vmul.f32 $4.002903100e-06, v29;
	[tilespmem:$0x130] =	vst v34  }
0x2d: {  	v41 =	vld [tilespmem:$0x1B0];
	v40 =	vmul.f32 $4.002903100e-06, v31;
	[tilespmem:$0x140] =	vst v36  }
0x2e: {  	v43 =	vld [tilespmem:$0x1C0];
	v42 =	vmul.f32 $4.002903100e-06, v33;
	[tilespmem:$0x150] =	vst v38  }
0x2f: {  	v45 =	vld [tilespmem:$0x1D0];
	v44 =	vmul.f32 $4.002903100e-06, v35;
	[tilespmem:$0x160] =	vst v40  }
0x30: {  	v47 =	vld [tilespmem:$0x1E0];
	v46 =	vmul.f32 $4.002903100e-06, v37;
	[tilespmem:$0x170] =	vst v42  }
0x31: {  	v49 =	vld [tilespmem:$0x1F0];
	v48 =	vmul.f32 $4.002903100e-06, v39;
	[tilespmem:$0x180] =	vst v44  }
0x32: {  	v51 =	vld [tilespmem:$0x200];
	v50 =	vmul.f32 $4.002903100e-06, v41;
	[tilespmem:$0x190] =	vst v46  }
0x33: {  	v53 =	vld [tilespmem:$0x210];
	v52 =	vmul.f32 $4.002903100e-06, v43;
	[tilespmem:$0x1A0] =	vst v48  }
0x34: {  	v54 =	vmul.f32 $4.002903100e-06, v45;
	[tilespmem:$0x1B0] =	vst v50;
	v55 =	vld [tilespmem:$0x220]  }
0x35: {  	v56 =	vmul.f32 $4.002903100e-06, v47;
	[tilespmem:$0x1C0] =	vst v52;
	v57 =	vld [tilespmem:$0x230]  }
0x36: {  	v58 =	vmul.f32 $4.002903100e-06, v49;
	[tilespmem:$0x1D0] =	vst v54;
	v59 =	vld [tilespmem:$0x240]  }
0x37: {  	v60 =	vmul.f32 $4.002903100e-06, v51;
	[tilespmem:$0x1E0] =	vst v56;
	v61 =	vld [tilespmem:$0x250]  }
0x38: {  	v62 =	vmul.f32 $4.002903100e-06, v53;
	[tilespmem:$0x1F0] =	vst v58;
	v63 =	vld [tilespmem:$0x260]  }
0x39: {  	[tilespmem:$0x200] =	vst v60;
	v10 =	vld [tilespmem:$0x270];
	v9 =	vmul.f32 $4.002903100e-06, v55  }
0x3a: {  	[tilespmem:$0x210] =	vst v62;
	v12 =	vld [tilespmem:$0x280];
	v11 =	vmul.f32 $4.002903100e-06, v57  }
0x3b: {  	v14 =	vld [tilespmem:$0x290];
	v13 =	vmul.f32 $4.002903100e-06, v59;
	[tilespmem:$0x220] =	vst v9  }
0x3c: {  	v16 =	vld [tilespmem:$0x2A0];
	v15 =	vmul.f32 $4.002903100e-06, v61;
	[tilespmem:$0x230] =	vst v11  }
0x3d: {  	v18 =	vld [tilespmem:$0x2B0];
	v17 =	vmul.f32 $4.002903100e-06, v63;
	[tilespmem:$0x240] =	vst v13  }
0x3e: {  	v20 =	vld [tilespmem:$0x2C0];
	v19 =	vmul.f32 $4.002903100e-06, v10;
	[tilespmem:$0x250] =	vst v15  }
0x3f: {  	v22 =	vld [tilespmem:$0x2D0];
	v21 =	vmul.f32 $4.002903100e-06, v12;
	[tilespmem:$0x260] =	vst v17  }
0x40: {  	v24 =	vld [tilespmem:$0x2E0];
	v23 =	vmul.f32 $4.002903100e-06, v14;
	[tilespmem:$0x270] =	vst v19  }
0x41: {  	v26 =	vld [tilespmem:$0x2F0];
	v25 =	vmul.f32 $4.002903100e-06, v16;
	[tilespmem:$0x280] =	vst v21  }
0x42: {  	v28 =	vld [tilespmem:$0x300];
	v27 =	vmul.f32 $4.002903100e-06, v18;
	[tilespmem:$0x290] =	vst v23  }
0x43: {  	v30 =	vld [tilespmem:$0x310];
	v29 =	vmul.f32 $4.002903100e-06, v20;
	[tilespmem:$0x2A0] =	vst v25  }
0x44: {  	v32 =	vld [tilespmem:$0x320];
	v31 =	vmul.f32 $4.002903100e-06, v22;
	[tilespmem:$0x2B0] =	vst v27  }
0x45: {  	v34 =	vld [tilespmem:$0x330];
	v33 =	vmul.f32 $4.002903100e-06, v24;
	[tilespmem:$0x2C0] =	vst v29  }
0x46: {  	v36 =	vld [tilespmem:$0x340];
	v35 =	vmul.f32 $4.002903100e-06, v26;
	[tilespmem:$0x2D0] =	vst v31  }
0x47: {  	v38 =	vld [tilespmem:$0x350];
	v37 =	vmul.f32 $4.002903100e-06, v28;
	[tilespmem:$0x2E0] =	vst v33  }
0x48: {  	v40 =	vld [tilespmem:$0x360];
	v39 =	vmul.f32 $4.002903100e-06, v30;
	[tilespmem:$0x2F0] =	vst v35  }
0x49: {  	v42 =	vld [tilespmem:$0x370];
	v41 =	vmul.f32 $4.002903100e-06, v32;
	[tilespmem:$0x300] =	vst v37  }
0x4a: {  	v44 =	vld [tilespmem:$0x380];
	v43 =	vmul.f32 $4.002903100e-06, v34;
	[tilespmem:$0x310] =	vst v39  }
0x4b: {  	v46 =	vld [tilespmem:$0x390];
	v45 =	vmul.f32 $4.002903100e-06, v36;
	[tilespmem:$0x320] =	vst v41  }
0x4c: {  	v48 =	vld [tilespmem:$0x3A0];
	v47 =	vmul.f32 $4.002903100e-06, v38;
	[tilespmem:$0x330] =	vst v43  }
0x4d: {  	v50 =	vld [tilespmem:$0x3B0];
	v49 =	vmul.f32 $4.002903100e-06, v40;
	[tilespmem:$0x340] =	vst v45  }
0x4e: {  	v52 =	vld [tilespmem:$0x3C0];
	v51 =	vmul.f32 $4.002903100e-06, v42;
	[tilespmem:$0x350] =	vst v47  }
0x4f: {  	v54 =	vld [tilespmem:$0x3D0];
	v53 =	vmul.f32 $4.002903100e-06, v44;
	[tilespmem:$0x360] =	vst v49  }
0x50: {  	v56 =	vld [tilespmem:$0x3E0];
	v55 =	vmul.f32 $4.002903100e-06, v46;
	[tilespmem:$0x370] =	vst v51  }
0x51: {  	v58 =	vld [tilespmem:$0x3F0];
	v57 =	vmul.f32 $4.002903100e-06, v48;
	[tilespmem:$0x380] =	vst v53  }
0x52: {  	v59 =	vmul.f32 $4.002903100e-06, v50;
	[tilespmem:$0x390] =	vst v55  }
0x53: {  	v60 =	vmul.f32 $4.002903100e-06, v52;
	[tilespmem:$0x3A0] =	vst v57  }
0x54: {  	v61 =	vmul.f32 $4.002903100e-06, v54;
	[tilespmem:$0x3B0] =	vst v59  }
0x55: {  	v62 =	vmul.f32 $4.002903100e-06, v56;
	[tilespmem:$0x3C0] =	vst v60  }
0x56: {  	v63 =	vmul.f32 $4.002903100e-06, v58;
	[tilespmem:$0x3D0] =	vst v61  }
0x57: {  	p0 =	sne.s32 s5, $0x1;
	[tilespmem:$0x3E0] =	vst v62  }
.Ltmp1:
0x58: {  	[tilespmem:$0x3F0] =	vst v63;
	(pc) =	sbr.rel @p0 .LBB2_2-.Ltmp1, $4  }
0x59: {  	[hbm4b:s2+s3] =	stream.linear.scatter [tilespmem:s3], [sflag:$0x2], $0x400, $0x38;
	[tilespmem:$0x400] =	vst v63  }
0x5a: {  	_ =	swait.ge [sflag:s9], $0x400  }
0x5b: {  	[sflag:s9] =	ssyncset.done $0x0  }
0x5c: {  	s5 =	sadd.s32 $0xFFFFFFFF, s5;
	[sflag:s9] =	ssyncadd.s32 $0xFFFFFC00  }
.LBB2_3:
0x5d: {  	_ =	sfence.sel $0x180000  }
0x5e: {  	[bflag:$0x0] =	sbarrier.arrive $0xFFFF  }
0x5f: {  	p0 =	sne.s32 s1, $0x0;
	_ =	strace $0x90000047  }
0x60: {  	s0 =	sadd.s32 @!p0 $0x100000, s0;
	[bflag:$0x2] =	sbarrier.arrive $0xFFFF  }
0x61: {  	[sflag:s0] =	ssyncadd.tile.s32 @!p0 $0x1;
	_ =	shalt  }
.Lfunc_end2:
_tile_overlayer_lowered:
.L_overlay_start_2:
0x62: {  	(tag) =	ssettag $0x2  }
0x63: {  	s0 =	rddreg [dreg:$0x0];
	s2 =	stileid.u32  }
0x64: {  	s1 =	rddreg [dreg:$0x1];
	p0 =	sne.s32 s2, $0x0  }
0x65: {  	s3 =	rddreg [dreg:$0x2];
	[bflag:$0x3] =	sbarrier.arrive $0xFFFF;
	s2 =	simm.s32 @!p0 $0x1C03  }
0x66: {  	[timem:s3], [sflag:s2] =	dma.local @!p0 [hbm:s0], s1  }
0x67: {  	s0 =	simm.s32 @!p0 $0x3  }
0x68: {  	_ =	swait.ge @!p0 [sflag:s0], s1  }
0x69: {  	s1 =	ssub.s32 @!p0 $0x0, s1;
	[sflag:s0] =	ssyncset.done @!p0 $0x0  }
0x6a: {  	[sflag:s0] =	ssyncadd.s32 @!p0 s1  }
0x6b: {  	[bflag:$0x3] =	sbarrier.arrive $0xFFFF  }
0x6c: {  	_ =	shalt  }

</sc_bundles>
